<compile_context>
chip_gen: v7x
topology: tpu7x:2x2x1
jax: 0.10.2.dev20260603
libtpu: 0.0.44.dev20260713+nightly
codegen_flags: <defaults>
</compile_context>

<pallas_src>
import functools

import jax
import jax.numpy as jnp
from jax import lax
from jax.experimental import pallas as pl
from jax.experimental.pallas import tpu as pltpu
from jax.experimental.pallas import tpu_sc as plsc

N = 10000
E = 320000
D = 128
H = 256
C = 40
CP = 48

NC, NS, LANES = 2, 16, 16
NW = NC * NS
NPAD = 10240
EPAD = 327680
CHUNK = 128
CHUNKS_PER_W = EPAD // (NW * CHUNK)
ROWS_PER_T = NPAD // NS

_mesh = plsc.VectorSubcoreMesh(core_axis_name="c", subcore_axis_name="s")


@functools.partial(
    pl.kernel,
    out_type=jax.ShapeDtypeStruct((2 * NPAD,), jnp.float32),
    mesh=_mesh,
    scratch_types=[
        pltpu.VMEM((CHUNK,), jnp.int32),
        pltpu.VMEM((CHUNK,), jnp.float32),
        pltpu.VMEM((ROWS_PER_T,), jnp.float32),
        pltpu.VMEM_SHARED((NPAD,), jnp.float32),
    ],
)
def _deg_kernel(dst_hbm, zeros1_hbm, out_hbm, idx_d, ones_v, stage, deg_sh):
    cid = lax.axis_index("c")
    sid = lax.axis_index("s")
    wid = sid * NC + cid
    pltpu.sync_copy(zeros1_hbm.at[pl.ds(sid * ROWS_PER_T, ROWS_PER_T)], stage)
    pltpu.sync_copy(stage, deg_sh.at[pl.ds(sid * ROWS_PER_T, ROWS_PER_T)])
    for k in range(CHUNK // LANES):
        ones_v[pl.ds(k * LANES, LANES)] = jnp.ones((LANES,), jnp.float32)
    plsc.subcore_barrier()

    def step(i, carry):
        ebase = (wid * CHUNKS_PER_W + i) * CHUNK
        pltpu.sync_copy(dst_hbm.at[pl.ds(ebase, CHUNK)], idx_d)
        pltpu.sync_copy(ones_v, deg_sh.at[idx_d], add=True)
        return carry

    lax.fori_loop(0, CHUNKS_PER_W, step, 0)
    plsc.subcore_barrier()
    pltpu.sync_copy(deg_sh.at[pl.ds(sid * ROWS_PER_T, ROWS_PER_T)], stage)
    pltpu.sync_copy(
        stage, out_hbm.at[pl.ds(cid * NPAD + sid * ROWS_PER_T, ROWS_PER_T)])


def _make_prop(width):
    @functools.partial(
        pl.kernel,
        out_type=jax.ShapeDtypeStruct((2 * NPAD, width), jnp.float32),
        mesh=_mesh,
        compiler_params=pltpu.CompilerParams(use_tc_tiling_on_sc=(width % 128 == 0)),
        scratch_types=[
            pltpu.VMEM((CHUNK,), jnp.int32),
            pltpu.VMEM((CHUNK,), jnp.int32),
            pltpu.VMEM((CHUNK, width), jnp.float32),
            pltpu.VMEM_SHARED((NPAD, width), jnp.float32),
            pltpu.SemaphoreType.DMA,
        ],
    )
    def _prop(xs_hbm, srcp_hbm, dstp_hbm, zeros_hbm, out_hbm,
              idx_s, idx_d, rows, acc_sh, sem):
        cid = lax.axis_index("c")
        sid = lax.axis_index("s")
        wid = sid * NC + cid
        for p in range(ROWS_PER_T // CHUNK):
            r0 = sid * ROWS_PER_T + p * CHUNK
            pltpu.sync_copy(zeros_hbm.at[pl.ds(r0, CHUNK)],
                            acc_sh.at[pl.ds(r0, CHUNK)])
        plsc.subcore_barrier()

        def step(i, carry):
            ebase = (wid * CHUNKS_PER_W + i) * CHUNK
            pltpu.sync_copy(srcp_hbm.at[pl.ds(ebase, CHUNK)], idx_s)
            pltpu.sync_copy(dstp_hbm.at[pl.ds(ebase, CHUNK)], idx_d)
            pltpu.async_copy(xs_hbm.at[idx_s], rows, sem).wait()
            pltpu.sync_copy(rows, acc_sh.at[idx_d], add=True)
            return carry

        lax.fori_loop(0, CHUNKS_PER_W, step, 0)
        plsc.subcore_barrier()
        for p in range(ROWS_PER_T // CHUNK):
            r0 = sid * ROWS_PER_T + p * CHUNK
            pltpu.sync_copy(acc_sh.at[pl.ds(r0, CHUNK)],
                            out_hbm.at[pl.ds(cid * NPAD + r0, CHUNK)])

    return _prop


_prop128 = _make_prop(D)
_prop48 = _make_prop(CP)


def _prep_body(deg0, deg1, x_ref, dinv_out, xs_out):
    dg = deg0[...] + deg1[...] + 1.0
    di = lax.rsqrt(dg)
    dinv_out[...] = di
    xs_out[...] = x_ref[...] * di


def _mid_body(a0, a1, xs, dinv, W1r, b1r, W2r, zs_out):
    g = (a0[...] + a1[...] + xs[...]) * dinv[...]
    h = jnp.dot(g, W1r[...], preferred_element_type=jnp.float32) + b1r[...]
    h = jnp.maximum(h, 0.0)
    z = jnp.dot(h, W2r[...], preferred_element_type=jnp.float32)
    zs_out[...] = z * dinv[...]


def _loss_body(a0, a1, zs, dinv, b2r, y_ref, out_ref):
    i = pl.program_id(0)
    rows = a0.shape[0]
    o = (a0[...] + a1[...] + zs[...]) * dinv[...] + b2r[...]
    col = lax.broadcasted_iota(jnp.int32, (rows, CP), 1)
    o = jnp.where(col < C, o, -1e30)
    m = jnp.max(o, axis=1, keepdims=True)
    lse = jnp.log(jnp.sum(jnp.exp(o - m), axis=1, keepdims=True)) + m
    picked = jnp.sum(jnp.where(col == y_ref[...], o - lse, 0.0), axis=1)
    part = jnp.sum(picked) * (-1.0 / N)

    @pl.when(i == 0)
    def _():
        out_ref[...] = jnp.zeros_like(out_ref)

    out_ref[...] += jnp.full((1, 1), 1.0, jnp.float32) * part


def kernel(x, edge_index, y, W1, b1, W2, b2):
    f32 = jnp.float32
    src = edge_index[0]
    dst = edge_index[1]
    pad = (jnp.arange(EPAD - E, dtype=jnp.int32) % (NPAD - N)) + N
    srcp = jnp.concatenate([src, pad])
    dstp = jnp.concatenate([dst, pad])
    xpad = jnp.zeros((NPAD, D), f32).at[:N].set(x)
    zeros1 = jnp.zeros((NPAD,), f32)
    zeros2 = jnp.zeros((NPAD, D), f32)
    zeros48 = jnp.zeros((NPAD, CP), f32)
    W2p = jnp.pad(W2, ((0, 0), (0, CP - C)))
    b1r = b1.reshape(1, H)
    b2r = jnp.pad(b2, (0, CP - C)).reshape(1, CP)

    degp = _deg_kernel(dstp, zeros1)
    deg0 = degp[:NPAD].reshape(NPAD, 1)
    deg1 = degp[NPAD:].reshape(NPAD, 1)

    R = 1024
    G = NPAD // R
    dinv, xs = pl.pallas_call(
        _prep_body,
        grid=(G,),
        in_specs=[
            pl.BlockSpec((R, 1), lambda i: (i, 0)),
            pl.BlockSpec((R, 1), lambda i: (i, 0)),
            pl.BlockSpec((R, D), lambda i: (i, 0)),
        ],
        out_specs=[
            pl.BlockSpec((R, 1), lambda i: (i, 0)),
            pl.BlockSpec((R, D), lambda i: (i, 0)),
        ],
        out_shape=[
            jax.ShapeDtypeStruct((NPAD, 1), f32),
            jax.ShapeDtypeStruct((NPAD, D), f32),
        ],
    )(deg0, deg1, xpad)

    acc1 = _prop128(xs, srcp, dstp, zeros2)

    zs = pl.pallas_call(
        _mid_body,
        grid=(G,),
        in_specs=[
            pl.BlockSpec((R, D), lambda i: (i, 0)),
            pl.BlockSpec((R, D), lambda i: (i + G, 0)),
            pl.BlockSpec((R, D), lambda i: (i, 0)),
            pl.BlockSpec((R, 1), lambda i: (i, 0)),
            pl.BlockSpec((D, H), lambda i: (0, 0)),
            pl.BlockSpec((1, H), lambda i: (0, 0)),
            pl.BlockSpec((H, CP), lambda i: (0, 0)),
        ],
        out_specs=pl.BlockSpec((R, CP), lambda i: (i, 0)),
        out_shape=jax.ShapeDtypeStruct((NPAD, CP), f32),
    )(acc1, acc1, xs, dinv, W1, b1r, W2p)

    acc2 = _prop48(zs, srcp, dstp, zeros48)

    RL = 1000
    GL = N // RL
    a20 = acc2[:N]
    a21 = acc2[NPAD:NPAD + N]
    out = pl.pallas_call(
        _loss_body,
        grid=(GL,),
        in_specs=[
            pl.BlockSpec((RL, CP), lambda i: (i, 0)),
            pl.BlockSpec((RL, CP), lambda i: (i, 0)),
            pl.BlockSpec((RL, CP), lambda i: (i, 0)),
            pl.BlockSpec((RL, 1), lambda i: (i, 0)),
            pl.BlockSpec((1, CP), lambda i: (0, 0)),
            pl.BlockSpec((RL, 1), lambda i: (i, 0)),
        ],
        out_specs=pl.BlockSpec((1, 1), lambda i: (0, 0)),
        out_shape=jax.ShapeDtypeStruct((1, 1), f32),
    )(a20, a21, zs[:N], dinv[:N], b2r, y)

    return out[0, 0]

# --- scband reference (transcript-rebuilt; emitter-appended) ---
"""Pipeline reference for scband-base-7756710936839 (READ-ONLY COPY).

The authoritative reference and input builder live on the scoring server;
editing this copy changes nothing except your own understanding.
"""

import jax, jax.numpy as jnp
import numpy as np

N = 10000
E = 320000
D = 128
H = 256
C = 40

def setup_inputs(seed: int = 0) -> dict:
    key = jax.random.key(seed)
    ks = jax.random.split(key, 8)
    x = jax.random.normal(ks[0], (N, D), dtype=jnp.float32)
    edge_index = jax.random.randint(ks[1], (2, E), 0, N, dtype=jnp.int32)
    y = jax.random.randint(ks[2], (N, 1), 0, C, dtype=jnp.int32)
    W1 = jax.random.normal(ks[3], (D, H), dtype=jnp.float32) * (1.0 / np.sqrt(D))
    b1 = jnp.zeros((H,), dtype=jnp.float32)
    W2 = jax.random.normal(ks[4], (H, C), dtype=jnp.float32) * (1.0 / np.sqrt(H))
    b2 = jnp.zeros((C,), dtype=jnp.float32)
    return {"x": x, "edge_index": edge_index, "y": y, "W1": W1, "b1": b1, "W2": W2, "b2": b2}

def _gcn_prop(h, src2, dst2, norm, n):
    # scatter-add of normalized messages (GCNConv symmetric normalization with self-loops)
    msg = norm[:, None] * jnp.take(h, src2, axis=0)
    return jnp.zeros((n, h.shape[1]), h.dtype).at[dst2].add(msg)

def reference(x, edge_index, y, W1, b1, W2, b2):
    n = x.shape[0]
    src = edge_index[0]
    dst = edge_index[1]
    loops = jnp.arange(n, dtype=src.dtype)
    src2 = jnp.concatenate([src, loops])
    dst2 = jnp.concatenate([dst, loops])
    deg = jnp.zeros((n,), x.dtype).at[dst2].add(1.0)
    dinv = 1.0 / jnp.sqrt(jnp.clip(deg, 1.0))
    norm = dinv[src2] * dinv[dst2]
    # layer 1: GCNConv(d -> hidden) + ReLU (dropout=0.0, no_bn=True)
    h = x @ W1
    h = _gcn_prop(h, src2, dst2, norm, n) + b1
    h = jax.nn.relu(h)
    # layer 2: GCNConv(hidden -> c)
    o = h @ W2
    o = _gcn_prop(o, src2, dst2, norm, n) + b2
    # sup_loss: log_softmax + NLL (criterion = NLLLoss, mean reduction)
    logp = jax.nn.log_softmax(o, axis=1)
    tgt = y[:, 0]
    loss = -jnp.mean(jnp.take_along_axis(logp, tgt[:, None], axis=1))
    return loss

if __name__ == "__main__":
    import jax
    _d = setup_inputs()
    print(jax.jit(kernel)(*tuple(_d.values())))

</pallas_src>

<mosaic_0001>
#map = affine_map<(d0, d1) -> (0, 0)>
#map1 = affine_map<(d0, d1) -> (0)>
module attributes {stable_mosaic.version = 14 : i64} {
  func.func @_prop(%arg0: i32, %arg1: i32, %arg2: memref<10240x128xf32, #tpu.memory_space<hbm>>, %arg3: memref<327680xi32, #tpu.memory_space<hbm>>, %arg4: memref<327680xi32, #tpu.memory_space<hbm>>, %arg5: memref<10240x128xf32, #tpu.memory_space<hbm>>, %arg6: memref<20480x128xf32, #tpu.memory_space<hbm>>, %arg7: memref<128xi32, #tpu.memory_space<vmem>>, %arg8: memref<128xi32, #tpu.memory_space<vmem>>, %arg9: memref<128x128xf32, #tpu.memory_space<vmem>>, %arg10: memref<10240x128xf32, #tpu.memory_space<vmem_shared>>, %arg11: memref<!tpu.dma_semaphore, #tpu.memory_space<semaphore_mem>>) attributes {dimension_semantics = [#tpu.dimension_semantics<core_parallel>, #tpu.dimension_semantics<subcore_parallel>], iteration_bounds = array<i64: 2, 16>, scalar_prefetch = 0 : i64, scratch_operands = 5 : i64, tpu.core_type = #tpu.core_type<sc_vector_subcore>, window_params = [{transform_indices = #map}, {transform_indices = #map1}, {transform_indices = #map1}, {transform_indices = #map}, {transform_indices = #map}]} {
    %mul3A = arith.constant 2 : i32
    %mul3A_0 = arith.muli %arg1, %mul3A : i32
    %add3A = arith.addi %mul3A_0, %arg0 : i32
    %mul3A_1 = arith.constant 640 : i32
    %mul3A_2 = arith.muli %arg1, %mul3A_1 : i32
    %add3A_3 = arith.constant 0 : i32
    %add3A_4 = arith.addi %mul3A_2, %add3A_3 : i32
    "tpu.region"() ({
      %run_scoped3A = tpu.sem_alloc : memref<!tpu.dma_semaphore, #tpu.memory_space<semaphore_mem>>
      %dma_start3A = arith.constant 0 : i32
      %dma_start3A_62 = tpu.memref_slice %arg10[%add3A_4, %dma_start3A] : memref<10240x128xf32, #tpu.memory_space<vmem_shared>> -> memref<128x128xf32, #tpu.memory_space<vmem_shared>>
      %dma_start3A_63 = arith.constant 0 : i32
      %dma_start3A_64 = tpu.memref_slice %arg5[%add3A_4, %dma_start3A_63] : memref<10240x128xf32, #tpu.memory_space<hbm>> -> memref<128x128xf32, #tpu.memory_space<hbm>>
      tpu.enqueue_dma source(%dma_start3A_64 : memref<128x128xf32, #tpu.memory_space<hbm>>) target(%dma_start3A_62 : memref<128x128xf32, #tpu.memory_space<vmem_shared>>) target_semaphore(%run_scoped3A : memref<!tpu.dma_semaphore, #tpu.memory_space<semaphore_mem>>)
      %dma_wait3A = arith.constant 0 : i32
      %dma_wait3A_65 = tpu.memref_slice %arg10[%add3A_4, %dma_wait3A] : memref<10240x128xf32, #tpu.memory_space<vmem_shared>> -> memref<128x128xf32, #tpu.memory_space<vmem_shared>>
      %dma_wait3A_66 = arith.constant 0 : i32
      %dma_wait3A_67 = tpu.memref_slice %arg5[%add3A_4, %dma_wait3A_66] : memref<10240x128xf32, #tpu.memory_space<hbm>> -> memref<128x128xf32, #tpu.memory_space<hbm>>
      tpu.wait_dma2 semaphore(%run_scoped3A : memref<!tpu.dma_semaphore, #tpu.memory_space<semaphore_mem>>) src(%dma_wait3A_67 : memref<128x128xf32, #tpu.memory_space<hbm>>) dst(%dma_wait3A_65 : memref<128x128xf32, #tpu.memory_space<vmem_shared>>)
      tpu.yield
    }) : () -> ()
    %mul3A_5 = arith.constant 640 : i32
    %mul3A_6 = arith.muli %arg1, %mul3A_5 : i32
    %add3A_7 = arith.constant 128 : i32
    %add3A_8 = arith.addi %mul3A_6, %add3A_7 : i32
    "tpu.region"() ({
      %run_scoped3A = tpu.sem_alloc : memref<!tpu.dma_semaphore, #tpu.memory_space<semaphore_mem>>
      %dma_start3A = arith.constant 0 : i32
      %dma_start3A_62 = tpu.memref_slice %arg10[%add3A_8, %dma_start3A] : memref<10240x128xf32, #tpu.memory_space<vmem_shared>> -> memref<128x128xf32, #tpu.memory_space<vmem_shared>>
      %dma_start3A_63 = arith.constant 0 : i32
      %dma_start3A_64 = tpu.memref_slice %arg5[%add3A_8, %dma_start3A_63] : memref<10240x128xf32, #tpu.memory_space<hbm>> -> memref<128x128xf32, #tpu.memory_space<hbm>>
      tpu.enqueue_dma source(%dma_start3A_64 : memref<128x128xf32, #tpu.memory_space<hbm>>) target(%dma_start3A_62 : memref<128x128xf32, #tpu.memory_space<vmem_shared>>) target_semaphore(%run_scoped3A : memref<!tpu.dma_semaphore, #tpu.memory_space<semaphore_mem>>)
      %dma_wait3A = arith.constant 0 : i32
      %dma_wait3A_65 = tpu.memref_slice %arg10[%add3A_8, %dma_wait3A] : memref<10240x128xf32, #tpu.memory_space<vmem_shared>> -> memref<128x128xf32, #tpu.memory_space<vmem_shared>>
      %dma_wait3A_66 = arith.constant 0 : i32
      %dma_wait3A_67 = tpu.memref_slice %arg5[%add3A_8, %dma_wait3A_66] : memref<10240x128xf32, #tpu.memory_space<hbm>> -> memref<128x128xf32, #tpu.memory_space<hbm>>
      tpu.wait_dma2 semaphore(%run_scoped3A : memref<!tpu.dma_semaphore, #tpu.memory_space<semaphore_mem>>) src(%dma_wait3A_67 : memref<128x128xf32, #tpu.memory_space<hbm>>) dst(%dma_wait3A_65 : memref<128x128xf32, #tpu.memory_space<vmem_shared>>)
      tpu.yield
    }) : () -> ()
    %mul3A_9 = arith.constant 640 : i32
    %mul3A_10 = arith.muli %arg1, %mul3A_9 : i32
    %add3A_11 = arith.constant 256 : i32
    %add3A_12 = arith.addi %mul3A_10, %add3A_11 : i32
    "tpu.region"() ({
      %run_scoped3A = tpu.sem_alloc : memref<!tpu.dma_semaphore, #tpu.memory_space<semaphore_mem>>
      %dma_start3A = arith.constant 0 : i32
      %dma_start3A_62 = tpu.memref_slice %arg10[%add3A_12, %dma_start3A] : memref<10240x128xf32, #tpu.memory_space<vmem_shared>> -> memref<128x128xf32, #tpu.memory_space<vmem_shared>>
      %dma_start3A_63 = arith.constant 0 : i32
      %dma_start3A_64 = tpu.memref_slice %arg5[%add3A_12, %dma_start3A_63] : memref<10240x128xf32, #tpu.memory_space<hbm>> -> memref<128x128xf32, #tpu.memory_space<hbm>>
      tpu.enqueue_dma source(%dma_start3A_64 : memref<128x128xf32, #tpu.memory_space<hbm>>) target(%dma_start3A_62 : memref<128x128xf32, #tpu.memory_space<vmem_shared>>) target_semaphore(%run_scoped3A : memref<!tpu.dma_semaphore, #tpu.memory_space<semaphore_mem>>)
      %dma_wait3A = arith.constant 0 : i32
      %dma_wait3A_65 = tpu.memref_slice %arg10[%add3A_12, %dma_wait3A] : memref<10240x128xf32, #tpu.memory_space<vmem_shared>> -> memref<128x128xf32, #tpu.memory_space<vmem_shared>>
      %dma_wait3A_66 = arith.constant 0 : i32
      %dma_wait3A_67 = tpu.memref_slice %arg5[%add3A_12, %dma_wait3A_66] : memref<10240x128xf32, #tpu.memory_space<hbm>> -> memref<128x128xf32, #tpu.memory_space<hbm>>
      tpu.wait_dma2 semaphore(%run_scoped3A : memref<!tpu.dma_semaphore, #tpu.memory_space<semaphore_mem>>) src(%dma_wait3A_67 : memref<128x128xf32, #tpu.memory_space<hbm>>) dst(%dma_wait3A_65 : memref<128x128xf32, #tpu.memory_space<vmem_shared>>)
      tpu.yield
    }) : () -> ()
    %mul3A_13 = arith.constant 640 : i32
    %mul3A_14 = arith.muli %arg1, %mul3A_13 : i32
    %add3A_15 = arith.constant 384 : i32
    %add3A_16 = arith.addi %mul3A_14, %add3A_15 : i32
    "tpu.region"() ({
      %run_scoped3A = tpu.sem_alloc : memref<!tpu.dma_semaphore, #tpu.memory_space<semaphore_mem>>
      %dma_start3A = arith.constant 0 : i32
      %dma_start3A_62 = tpu.memref_slice %arg10[%add3A_16, %dma_start3A] : memref<10240x128xf32, #tpu.memory_space<vmem_shared>> -> memref<128x128xf32, #tpu.memory_space<vmem_shared>>
      %dma_start3A_63 = arith.constant 0 : i32
      %dma_start3A_64 = tpu.memref_slice %arg5[%add3A_16, %dma_start3A_63] : memref<10240x128xf32, #tpu.memory_space<hbm>> -> memref<128x128xf32, #tpu.memory_space<hbm>>
      tpu.enqueue_dma source(%dma_start3A_64 : memref<128x128xf32, #tpu.memory_space<hbm>>) target(%dma_start3A_62 : memref<128x128xf32, #tpu.memory_space<vmem_shared>>) target_semaphore(%run_scoped3A : memref<!tpu.dma_semaphore, #tpu.memory_space<semaphore_mem>>)
      %dma_wait3A = arith.constant 0 : i32
      %dma_wait3A_65 = tpu.memref_slice %arg10[%add3A_16, %dma_wait3A] : memref<10240x128xf32, #tpu.memory_space<vmem_shared>> -> memref<128x128xf32, #tpu.memory_space<vmem_shared>>
      %dma_wait3A_66 = arith.constant 0 : i32
      %dma_wait3A_67 = tpu.memref_slice %arg5[%add3A_16, %dma_wait3A_66] : memref<10240x128xf32, #tpu.memory_space<hbm>> -> memref<128x128xf32, #tpu.memory_space<hbm>>
      tpu.wait_dma2 semaphore(%run_scoped3A : memref<!tpu.dma_semaphore, #tpu.memory_space<semaphore_mem>>) src(%dma_wait3A_67 : memref<128x128xf32, #tpu.memory_space<hbm>>) dst(%dma_wait3A_65 : memref<128x128xf32, #tpu.memory_space<vmem_shared>>)
      tpu.yield
    }) : () -> ()
    %mul3A_17 = arith.constant 640 : i32
    %mul3A_18 = arith.muli %arg1, %mul3A_17 : i32
    %add3A_19 = arith.constant 512 : i32
    %add3A_20 = arith.addi %mul3A_18, %add3A_19 : i32
    "tpu.region"() ({
      %run_scoped3A = tpu.sem_alloc : memref<!tpu.dma_semaphore, #tpu.memory_space<semaphore_mem>>
      %dma_start3A = arith.constant 0 : i32
      %dma_start3A_62 = tpu.memref_slice %arg10[%add3A_20, %dma_start3A] : memref<10240x128xf32, #tpu.memory_space<vmem_shared>> -> memref<128x128xf32, #tpu.memory_space<vmem_shared>>
      %dma_start3A_63 = arith.constant 0 : i32
      %dma_start3A_64 = tpu.memref_slice %arg5[%add3A_20, %dma_start3A_63] : memref<10240x128xf32, #tpu.memory_space<hbm>> -> memref<128x128xf32, #tpu.memory_space<hbm>>
      tpu.enqueue_dma source(%dma_start3A_64 : memref<128x128xf32, #tpu.memory_space<hbm>>) target(%dma_start3A_62 : memref<128x128xf32, #tpu.memory_space<vmem_shared>>) target_semaphore(%run_scoped3A : memref<!tpu.dma_semaphore, #tpu.memory_space<semaphore_mem>>)
      %dma_wait3A = arith.constant 0 : i32
      %dma_wait3A_65 = tpu.memref_slice %arg10[%add3A_20, %dma_wait3A] : memref<10240x128xf32, #tpu.memory_space<vmem_shared>> -> memref<128x128xf32, #tpu.memory_space<vmem_shared>>
      %dma_wait3A_66 = arith.constant 0 : i32
      %dma_wait3A_67 = tpu.memref_slice %arg5[%add3A_20, %dma_wait3A_66] : memref<10240x128xf32, #tpu.memory_space<hbm>> -> memref<128x128xf32, #tpu.memory_space<hbm>>
      tpu.wait_dma2 semaphore(%run_scoped3A : memref<!tpu.dma_semaphore, #tpu.memory_space<semaphore_mem>>) src(%dma_wait3A_67 : memref<128x128xf32, #tpu.memory_space<hbm>>) dst(%dma_wait3A_65 : memref<128x128xf32, #tpu.memory_space<vmem_shared>>)
      tpu.yield
    }) : () -> ()
    %barrier3A = arith.constant 0 : index
    tpu.barrier barrier_id(%barrier3A)
    %scan3A = arith.constant 0 : i32
    %scan3A_21 = arith.constant 0 : i32
    %scan3A_22 = arith.constant 80 : i32
    %scan3A_23 = arith.addi %scan3A_21, %scan3A_22 : i32
    %scan3A_24 = arith.constant 1 : i32
    scf.for %scan3A_62 = %scan3A_21 to %scan3A_23 step %scan3A_24  : i32 {
      %mul3A_63 = arith.constant 80 : i32
      %mul3A_64 = arith.muli %add3A, %mul3A_63 : i32
      %add3A_65 = arith.addi %mul3A_64, %scan3A_62 : i32
      %mul3A_66 = arith.constant 128 : i32
      %mul3A_67 = arith.muli %add3A_65, %mul3A_66 : i32
      "tpu.region"() ({
        %run_scoped3A = tpu.sem_alloc : memref<!tpu.dma_semaphore, #tpu.memory_space<semaphore_mem>>
        %dma_start3A_72 = tpu.memref_slice %arg3[%mul3A_67] : memref<327680xi32, #tpu.memory_space<hbm>> -> memref<128xi32, #tpu.memory_space<hbm>>
        %dma_start3A_73 = tpu.memref_slice %arg3[%mul3A_67] : memref<327680xi32, #tpu.memory_space<hbm>> -> memref<128xi32, #tpu.memory_space<hbm>>
        tpu.enqueue_dma source(%dma_start3A_73 : memref<128xi32, #tpu.memory_space<hbm>>) target(%arg7 : memref<128xi32, #tpu.memory_space<vmem>>) target_semaphore(%run_scoped3A : memref<!tpu.dma_semaphore, #tpu.memory_space<semaphore_mem>>)
        %dma_wait3A_74 = tpu.memref_slice %arg3[%mul3A_67] : memref<327680xi32, #tpu.memory_space<hbm>> -> memref<128xi32, #tpu.memory_space<hbm>>
        %dma_wait3A_75 = tpu.memref_slice %arg3[%mul3A_67] : memref<327680xi32, #tpu.memory_space<hbm>> -> memref<128xi32, #tpu.memory_space<hbm>>
        tpu.wait_dma2 semaphore(%run_scoped3A : memref<!tpu.dma_semaphore, #tpu.memory_space<semaphore_mem>>) src(%dma_wait3A_75 : memref<128xi32, #tpu.memory_space<hbm>>) dst(%arg7 : memref<128xi32, #tpu.memory_space<vmem>>)
        tpu.yield
      }) : () -> ()
      "tpu.region"() ({
        %run_scoped3A = tpu.sem_alloc : memref<!tpu.dma_semaphore, #tpu.memory_space<semaphore_mem>>
        %dma_start3A_72 = tpu.memref_slice %arg4[%mul3A_67] : memref<327680xi32, #tpu.memory_space<hbm>> -> memref<128xi32, #tpu.memory_space<hbm>>
        %dma_start3A_73 = tpu.memref_slice %arg4[%mul3A_67] : memref<327680xi32, #tpu.memory_space<hbm>> -> memref<128xi32, #tpu.memory_space<hbm>>
        tpu.enqueue_dma source(%dma_start3A_73 : memref<128xi32, #tpu.memory_space<hbm>>) target(%arg8 : memref<128xi32, #tpu.memory_space<vmem>>) target_semaphore(%run_scoped3A : memref<!tpu.dma_semaphore, #tpu.memory_space<semaphore_mem>>)
        %dma_wait3A_74 = tpu.memref_slice %arg4[%mul3A_67] : memref<327680xi32, #tpu.memory_space<hbm>> -> memref<128xi32, #tpu.memory_space<hbm>>
        %dma_wait3A_75 = tpu.memref_slice %arg4[%mul3A_67] : memref<327680xi32, #tpu.memory_space<hbm>> -> memref<128xi32, #tpu.memory_space<hbm>>
        tpu.wait_dma2 semaphore(%run_scoped3A : memref<!tpu.dma_semaphore, #tpu.memory_space<semaphore_mem>>) src(%dma_wait3A_75 : memref<128xi32, #tpu.memory_space<hbm>>) dst(%arg8 : memref<128xi32, #tpu.memory_space<vmem>>)
        tpu.yield
      }) : () -> ()
      %dma_start3A = arith.constant 0 : i32
      %dma_start3A_68 = arith.constant 0 : i32
      %dma_start3A_69 = tpu.memref_slice %arg2[%dma_start3A, %dma_start3A_68] : memref<10240x128xf32, #tpu.memory_space<hbm>> -> memref<10240x128xf32, #tpu.memory_space<hbm>>
      tpu.enqueue_indirect_dma source(%dma_start3A_69 : memref<10240x128xf32, #tpu.memory_space<hbm>>) target(%arg9 : memref<128x128xf32, #tpu.memory_space<vmem>>) offsets(%arg7 : memref<128xi32, #tpu.memory_space<vmem>>) semaphore(%arg11 : memref<!tpu.dma_semaphore, #tpu.memory_space<semaphore_mem>>)
      %dma_wait3A = arith.constant 0 : i32
      %dma_wait3A_70 = arith.constant 0 : i32
      %dma_wait3A_71 = tpu.memref_slice %arg2[%dma_wait3A, %dma_wait3A_70] : memref<10240x128xf32, #tpu.memory_space<hbm>> -> memref<10240x128xf32, #tpu.memory_space<hbm>>
      tpu.wait_indirect_dma semaphore(%arg11 : memref<!tpu.dma_semaphore, #tpu.memory_space<semaphore_mem>>) src(%dma_wait3A_71 : memref<10240x128xf32, #tpu.memory_space<hbm>>) dst(%arg9 : memref<128x128xf32, #tpu.memory_space<vmem>>)
      "tpu.region"() ({
        %run_scoped3A = tpu.sem_alloc : memref<!tpu.dma_semaphore, #tpu.memory_space<semaphore_mem>>
        %dma_start3A_72 = arith.constant 0 : i32
        %dma_start3A_73 = arith.constant 0 : i32
        %dma_start3A_74 = tpu.memref_slice %arg10[%dma_start3A_72, %dma_start3A_73] : memref<10240x128xf32, #tpu.memory_space<vmem_shared>> -> memref<10240x128xf32, #tpu.memory_space<vmem_shared>>
        tpu.enqueue_indirect_dma source(%arg9 : memref<128x128xf32, #tpu.memory_space<vmem>>) target(%dma_start3A_74 : memref<10240x128xf32, #tpu.memory_space<vmem_shared>>) offsets(%arg8 : memref<128xi32, #tpu.memory_space<vmem>>) semaphore(%run_scoped3A : memref<!tpu.dma_semaphore, #tpu.memory_space<semaphore_mem>>) {add = true}
        %dma_wait3A_75 = arith.constant 0 : i32
        %dma_wait3A_76 = arith.constant 0 : i32
        %dma_wait3A_77 = tpu.memref_slice %arg10[%dma_wait3A_75, %dma_wait3A_76] : memref<10240x128xf32, #tpu.memory_space<vmem_shared>> -> memref<10240x128xf32, #tpu.memory_space<vmem_shared>>
        tpu.wait_indirect_dma semaphore(%run_scoped3A : memref<!tpu.dma_semaphore, #tpu.memory_space<semaphore_mem>>) src(%arg9 : memref<128x128xf32, #tpu.memory_space<vmem>>) dst(%dma_wait3A_77 : memref<10240x128xf32, #tpu.memory_space<vmem_shared>>)
        tpu.yield
      }) : () -> ()
    }
    %scan3A_25 = arith.constant 80 : i32
    %barrier3A_26 = arith.constant 0 : index
    tpu.barrier barrier_id(%barrier3A_26)
    %mul3A_27 = arith.constant 640 : i32
    %mul3A_28 = arith.muli %arg1, %mul3A_27 : i32
    %add3A_29 = arith.constant 0 : i32
    %add3A_30 = arith.addi %mul3A_28, %add3A_29 : i32
    %mul3A_31 = arith.constant 10240 : i32
    %mul3A_32 = arith.muli %arg0, %mul3A_31 : i32
    %add3A_33 = arith.addi %mul3A_32, %add3A_30 : i32
    "tpu.region"() ({
      %run_scoped3A = tpu.sem_alloc : memref<!tpu.dma_semaphore, #tpu.memory_space<semaphore_mem>>
      %dma_start3A = arith.constant 0 : i32
      %dma_start3A_62 = tpu.memref_slice %arg6[%add3A_33, %dma_start3A] : memref<20480x128xf32, #tpu.memory_space<hbm>> -> memref<128x128xf32, #tpu.memory_space<hbm>>
      %dma_start3A_63 = arith.constant 0 : i32
      %dma_start3A_64 = tpu.memref_slice %arg10[%add3A_30, %dma_start3A_63] : memref<10240x128xf32, #tpu.memory_space<vmem_shared>> -> memref<128x128xf32, #tpu.memory_space<vmem_shared>>
      tpu.enqueue_dma source(%dma_start3A_64 : memref<128x128xf32, #tpu.memory_space<vmem_shared>>) target(%dma_start3A_62 : memref<128x128xf32, #tpu.memory_space<hbm>>) target_semaphore(%run_scoped3A : memref<!tpu.dma_semaphore, #tpu.memory_space<semaphore_mem>>)
      %dma_wait3A = arith.constant 0 : i32
      %dma_wait3A_65 = tpu.memref_slice %arg6[%add3A_33, %dma_wait3A] : memref<20480x128xf32, #tpu.memory_space<hbm>> -> memref<128x128xf32, #tpu.memory_space<hbm>>
      %dma_wait3A_66 = arith.constant 0 : i32
      %dma_wait3A_67 = tpu.memref_slice %arg10[%add3A_30, %dma_wait3A_66] : memref<10240x128xf32, #tpu.memory_space<vmem_shared>> -> memref<128x128xf32, #tpu.memory_space<vmem_shared>>
      tpu.wait_dma2 semaphore(%run_scoped3A : memref<!tpu.dma_semaphore, #tpu.memory_space<semaphore_mem>>) src(%dma_wait3A_67 : memref<128x128xf32, #tpu.memory_space<vmem_shared>>) dst(%dma_wait3A_65 : memref<128x128xf32, #tpu.memory_space<hbm>>)
      tpu.yield
    }) : () -> ()
    %mul3A_34 = arith.constant 640 : i32
    %mul3A_35 = arith.muli %arg1, %mul3A_34 : i32
    %add3A_36 = arith.constant 128 : i32
    %add3A_37 = arith.addi %mul3A_35, %add3A_36 : i32
    %mul3A_38 = arith.constant 10240 : i32
    %mul3A_39 = arith.muli %arg0, %mul3A_38 : i32
    %add3A_40 = arith.addi %mul3A_39, %add3A_37 : i32
    "tpu.region"() ({
      %run_scoped3A = tpu.sem_alloc : memref<!tpu.dma_semaphore, #tpu.memory_space<semaphore_mem>>
      %dma_start3A = arith.constant 0 : i32
      %dma_start3A_62 = tpu.memref_slice %arg6[%add3A_40, %dma_start3A] : memref<20480x128xf32, #tpu.memory_space<hbm>> -> memref<128x128xf32, #tpu.memory_space<hbm>>
      %dma_start3A_63 = arith.constant 0 : i32
      %dma_start3A_64 = tpu.memref_slice %arg10[%add3A_37, %dma_start3A_63] : memref<10240x128xf32, #tpu.memory_space<vmem_shared>> -> memref<128x128xf32, #tpu.memory_space<vmem_shared>>
      tpu.enqueue_dma source(%dma_start3A_64 : memref<128x128xf32, #tpu.memory_space<vmem_shared>>) target(%dma_start3A_62 : memref<128x128xf32, #tpu.memory_space<hbm>>) target_semaphore(%run_scoped3A : memref<!tpu.dma_semaphore, #tpu.memory_space<semaphore_mem>>)
      %dma_wait3A = arith.constant 0 : i32
      %dma_wait3A_65 = tpu.memref_slice %arg6[%add3A_40, %dma_wait3A] : memref<20480x128xf32, #tpu.memory_space<hbm>> -> memref<128x128xf32, #tpu.memory_space<hbm>>
      %dma_wait3A_66 = arith.constant 0 : i32
      %dma_wait3A_67 = tpu.memref_slice %arg10[%add3A_37, %dma_wait3A_66] : memref<10240x128xf32, #tpu.memory_space<vmem_shared>> -> memref<128x128xf32, #tpu.memory_space<vmem_shared>>
      tpu.wait_dma2 semaphore(%run_scoped3A : memref<!tpu.dma_semaphore, #tpu.memory_space<semaphore_mem>>) src(%dma_wait3A_67 : memref<128x128xf32, #tpu.memory_space<vmem_shared>>) dst(%dma_wait3A_65 : memref<128x128xf32, #tpu.memory_space<hbm>>)
      tpu.yield
    }) : () -> ()
    %mul3A_41 = arith.constant 640 : i32
    %mul3A_42 = arith.muli %arg1, %mul3A_41 : i32
    %add3A_43 = arith.constant 256 : i32
    %add3A_44 = arith.addi %mul3A_42, %add3A_43 : i32
    %mul3A_45 = arith.constant 10240 : i32
    %mul3A_46 = arith.muli %arg0, %mul3A_45 : i32
    %add3A_47 = arith.addi %mul3A_46, %add3A_44 : i32
    "tpu.region"() ({
      %run_scoped3A = tpu.sem_alloc : memref<!tpu.dma_semaphore, #tpu.memory_space<semaphore_mem>>
      %dma_start3A = arith.constant 0 : i32
      %dma_start3A_62 = tpu.memref_slice %arg6[%add3A_47, %dma_start3A] : memref<20480x128xf32, #tpu.memory_space<hbm>> -> memref<128x128xf32, #tpu.memory_space<hbm>>
      %dma_start3A_63 = arith.constant 0 : i32
      %dma_start3A_64 = tpu.memref_slice %arg10[%add3A_44, %dma_start3A_63] : memref<10240x128xf32, #tpu.memory_space<vmem_shared>> -> memref<128x128xf32, #tpu.memory_space<vmem_shared>>
      tpu.enqueue_dma source(%dma_start3A_64 : memref<128x128xf32, #tpu.memory_space<vmem_shared>>) target(%dma_start3A_62 : memref<128x128xf32, #tpu.memory_space<hbm>>) target_semaphore(%run_scoped3A : memref<!tpu.dma_semaphore, #tpu.memory_space<semaphore_mem>>)
      %dma_wait3A = arith.constant 0 : i32
      %dma_wait3A_65 = tpu.memref_slice %arg6[%add3A_47, %dma_wait3A] : memref<20480x128xf32, #tpu.memory_space<hbm>> -> memref<128x128xf32, #tpu.memory_space<hbm>>
      %dma_wait3A_66 = arith.constant 0 : i32
      %dma_wait3A_67 = tpu.memref_slice %arg10[%add3A_44, %dma_wait3A_66] : memref<10240x128xf32, #tpu.memory_space<vmem_shared>> -> memref<128x128xf32, #tpu.memory_space<vmem_shared>>
      tpu.wait_dma2 semaphore(%run_scoped3A : memref<!tpu.dma_semaphore, #tpu.memory_space<semaphore_mem>>) src(%dma_wait3A_67 : memref<128x128xf32, #tpu.memory_space<vmem_shared>>) dst(%dma_wait3A_65 : memref<128x128xf32, #tpu.memory_space<hbm>>)
      tpu.yield
    }) : () -> ()
    %mul3A_48 = arith.constant 640 : i32
    %mul3A_49 = arith.muli %arg1, %mul3A_48 : i32
    %add3A_50 = arith.constant 384 : i32
    %add3A_51 = arith.addi %mul3A_49, %add3A_50 : i32
    %mul3A_52 = arith.constant 10240 : i32
    %mul3A_53 = arith.muli %arg0, %mul3A_52 : i32
    %add3A_54 = arith.addi %mul3A_53, %add3A_51 : i32
    "tpu.region"() ({
      %run_scoped3A = tpu.sem_alloc : memref<!tpu.dma_semaphore, #tpu.memory_space<semaphore_mem>>
      %dma_start3A = arith.constant 0 : i32
      %dma_start3A_62 = tpu.memref_slice %arg6[%add3A_54, %dma_start3A] : memref<20480x128xf32, #tpu.memory_space<hbm>> -> memref<128x128xf32, #tpu.memory_space<hbm>>
      %dma_start3A_63 = arith.constant 0 : i32
      %dma_start3A_64 = tpu.memref_slice %arg10[%add3A_51, %dma_start3A_63] : memref<10240x128xf32, #tpu.memory_space<vmem_shared>> -> memref<128x128xf32, #tpu.memory_space<vmem_shared>>
      tpu.enqueue_dma source(%dma_start3A_64 : memref<128x128xf32, #tpu.memory_space<vmem_shared>>) target(%dma_start3A_62 : memref<128x128xf32, #tpu.memory_space<hbm>>) target_semaphore(%run_scoped3A : memref<!tpu.dma_semaphore, #tpu.memory_space<semaphore_mem>>)
      %dma_wait3A = arith.constant 0 : i32
      %dma_wait3A_65 = tpu.memref_slice %arg6[%add3A_54, %dma_wait3A] : memref<20480x128xf32, #tpu.memory_space<hbm>> -> memref<128x128xf32, #tpu.memory_space<hbm>>
      %dma_wait3A_66 = arith.constant 0 : i32
      %dma_wait3A_67 = tpu.memref_slice %arg10[%add3A_51, %dma_wait3A_66] : memref<10240x128xf32, #tpu.memory_space<vmem_shared>> -> memref<128x128xf32, #tpu.memory_space<vmem_shared>>
      tpu.wait_dma2 semaphore(%run_scoped3A : memref<!tpu.dma_semaphore, #tpu.memory_space<semaphore_mem>>) src(%dma_wait3A_67 : memref<128x128xf32, #tpu.memory_space<vmem_shared>>) dst(%dma_wait3A_65 : memref<128x128xf32, #tpu.memory_space<hbm>>)
      tpu.yield
    }) : () -> ()
    %mul3A_55 = arith.constant 640 : i32
    %mul3A_56 = arith.muli %arg1, %mul3A_55 : i32
    %add3A_57 = arith.constant 512 : i32
    %add3A_58 = arith.addi %mul3A_56, %add3A_57 : i32
    %mul3A_59 = arith.constant 10240 : i32
    %mul3A_60 = arith.muli %arg0, %mul3A_59 : i32
    %add3A_61 = arith.addi %mul3A_60, %add3A_58 : i32
    "tpu.region"() ({
      %run_scoped3A = tpu.sem_alloc : memref<!tpu.dma_semaphore, #tpu.memory_space<semaphore_mem>>
      %dma_start3A = arith.constant 0 : i32
      %dma_start3A_62 = tpu.memref_slice %arg6[%add3A_61, %dma_start3A] : memref<20480x128xf32, #tpu.memory_space<hbm>> -> memref<128x128xf32, #tpu.memory_space<hbm>>
      %dma_start3A_63 = arith.constant 0 : i32
      %dma_start3A_64 = tpu.memref_slice %arg10[%add3A_58, %dma_start3A_63] : memref<10240x128xf32, #tpu.memory_space<vmem_shared>> -> memref<128x128xf32, #tpu.memory_space<vmem_shared>>
      tpu.enqueue_dma source(%dma_start3A_64 : memref<128x128xf32, #tpu.memory_space<vmem_shared>>) target(%dma_start3A_62 : memref<128x128xf32, #tpu.memory_space<hbm>>) target_semaphore(%run_scoped3A : memref<!tpu.dma_semaphore, #tpu.memory_space<semaphore_mem>>)
      %dma_wait3A = arith.constant 0 : i32
      %dma_wait3A_65 = tpu.memref_slice %arg6[%add3A_61, %dma_wait3A] : memref<20480x128xf32, #tpu.memory_space<hbm>> -> memref<128x128xf32, #tpu.memory_space<hbm>>
      %dma_wait3A_66 = arith.constant 0 : i32
      %dma_wait3A_67 = tpu.memref_slice %arg10[%add3A_58, %dma_wait3A_66] : memref<10240x128xf32, #tpu.memory_space<vmem_shared>> -> memref<128x128xf32, #tpu.memory_space<vmem_shared>>
      tpu.wait_dma2 semaphore(%run_scoped3A : memref<!tpu.dma_semaphore, #tpu.memory_space<semaphore_mem>>) src(%dma_wait3A_67 : memref<128x128xf32, #tpu.memory_space<vmem_shared>>) dst(%dma_wait3A_65 : memref<128x128xf32, #tpu.memory_space<hbm>>)
      tpu.yield
    }) : () -> ()
    return
  }
}

#map = affine_map<(d0, d1) -> (0, 0)>
#map1 = affine_map<(d0, d1) -> (0)>
module attributes {stable_mosaic.version = 14 : i64} {
  func.func @_prop(%arg0: i32, %arg1: i32, %arg2: memref<10240x48xf32, #tpu.memory_space<hbm>>, %arg3: memref<327680xi32, #tpu.memory_space<hbm>>, %arg4: memref<327680xi32, #tpu.memory_space<hbm>>, %arg5: memref<10240x48xf32, #tpu.memory_space<hbm>>, %arg6: memref<20480x48xf32, #tpu.memory_space<hbm>>, %arg7: memref<128xi32, #tpu.memory_space<vmem>>, %arg8: memref<128xi32, #tpu.memory_space<vmem>>, %arg9: memref<128x48xf32, #tpu.memory_space<vmem>>, %arg10: memref<10240x48xf32, #tpu.memory_space<vmem_shared>>, %arg11: memref<!tpu.dma_semaphore, #tpu.memory_space<semaphore_mem>>) attributes {dimension_semantics = [#tpu.dimension_semantics<core_parallel>, #tpu.dimension_semantics<subcore_parallel>], iteration_bounds = array<i64: 2, 16>, scalar_prefetch = 0 : i64, scratch_operands = 5 : i64, tpu.core_type = #tpu.core_type<sc_vector_subcore>, window_params = [{transform_indices = #map}, {transform_indices = #map1}, {transform_indices = #map1}, {transform_indices = #map}, {transform_indices = #map}]} {
    %mul3A = arith.constant 2 : i32
    %mul3A_0 = arith.muli %arg1, %mul3A : i32
    %add3A = arith.addi %mul3A_0, %arg0 : i32
    %mul3A_1 = arith.constant 640 : i32
    %mul3A_2 = arith.muli %arg1, %mul3A_1 : i32
    %add3A_3 = arith.constant 0 : i32
    %add3A_4 = arith.addi %mul3A_2, %add3A_3 : i32
    "tpu.region"() ({
      %run_scoped3A = tpu.sem_alloc : memref<!tpu.dma_semaphore, #tpu.memory_space<semaphore_mem>>
      %dma_start3A = arith.constant 0 : i32
      %dma_start3A_62 = tpu.memref_slice %arg10[%add3A_4, %dma_start3A] : memref<10240x48xf32, #tpu.memory_space<vmem_shared>> -> memref<128x48xf32, #tpu.memory_space<vmem_shared>>
      %dma_start3A_63 = arith.constant 0 : i32
      %dma_start3A_64 = tpu.memref_slice %arg5[%add3A_4, %dma_start3A_63] : memref<10240x48xf32, #tpu.memory_space<hbm>> -> memref<128x48xf32, #tpu.memory_space<hbm>>
      tpu.enqueue_dma source(%dma_start3A_64 : memref<128x48xf32, #tpu.memory_space<hbm>>) target(%dma_start3A_62 : memref<128x48xf32, #tpu.memory_space<vmem_shared>>) target_semaphore(%run_scoped3A : memref<!tpu.dma_semaphore, #tpu.memory_space<semaphore_mem>>)
      %dma_wait3A = arith.constant 0 : i32
      %dma_wait3A_65 = tpu.memref_slice %arg10[%add3A_4, %dma_wait3A] : memref<10240x48xf32, #tpu.memory_space<vmem_shared>> -> memref<128x48xf32, #tpu.memory_space<vmem_shared>>
      %dma_wait3A_66 = arith.constant 0 : i32
      %dma_wait3A_67 = tpu.memref_slice %arg5[%add3A_4, %dma_wait3A_66] : memref<10240x48xf32, #tpu.memory_space<hbm>> -> memref<128x48xf32, #tpu.memory_space<hbm>>
      tpu.wait_dma2 semaphore(%run_scoped3A : memref<!tpu.dma_semaphore, #tpu.memory_space<semaphore_mem>>) src(%dma_wait3A_67 : memref<128x48xf32, #tpu.memory_space<hbm>>) dst(%dma_wait3A_65 : memref<128x48xf32, #tpu.memory_space<vmem_shared>>)
      tpu.yield
    }) : () -> ()
    %mul3A_5 = arith.constant 640 : i32
    %mul3A_6 = arith.muli %arg1, %mul3A_5 : i32
    %add3A_7 = arith.constant 128 : i32
    %add3A_8 = arith.addi %mul3A_6, %add3A_7 : i32
    "tpu.region"() ({
      %run_scoped3A = tpu.sem_alloc : memref<!tpu.dma_semaphore, #tpu.memory_space<semaphore_mem>>
      %dma_start3A = arith.constant 0 : i32
      %dma_start3A_62 = tpu.memref_slice %arg10[%add3A_8, %dma_start3A] : memref<10240x48xf32, #tpu.memory_space<vmem_shared>> -> memref<128x48xf32, #tpu.memory_space<vmem_shared>>
      %dma_start3A_63 = arith.constant 0 : i32
      %dma_start3A_64 = tpu.memref_slice %arg5[%add3A_8, %dma_start3A_63] : memref<10240x48xf32, #tpu.memory_space<hbm>> -> memref<128x48xf32, #tpu.memory_space<hbm>>
      tpu.enqueue_dma source(%dma_start3A_64 : memref<128x48xf32, #tpu.memory_space<hbm>>) target(%dma_start3A_62 : memref<128x48xf32, #tpu.memory_space<vmem_shared>>) target_semaphore(%run_scoped3A : memref<!tpu.dma_semaphore, #tpu.memory_space<semaphore_mem>>)
      %dma_wait3A = arith.constant 0 : i32
      %dma_wait3A_65 = tpu.memref_slice %arg10[%add3A_8, %dma_wait3A] : memref<10240x48xf32, #tpu.memory_space<vmem_shared>> -> memref<128x48xf32, #tpu.memory_space<vmem_shared>>
      %dma_wait3A_66 = arith.constant 0 : i32
      %dma_wait3A_67 = tpu.memref_slice %arg5[%add3A_8, %dma_wait3A_66] : memref<10240x48xf32, #tpu.memory_space<hbm>> -> memref<128x48xf32, #tpu.memory_space<hbm>>
      tpu.wait_dma2 semaphore(%run_scoped3A : memref<!tpu.dma_semaphore, #tpu.memory_space<semaphore_mem>>) src(%dma_wait3A_67 : memref<128x48xf32, #tpu.memory_space<hbm>>) dst(%dma_wait3A_65 : memref<128x48xf32, #tpu.memory_space<vmem_shared>>)
      tpu.yield
    }) : () -> ()
    %mul3A_9 = arith.constant 640 : i32
    %mul3A_10 = arith.muli %arg1, %mul3A_9 : i32
    %add3A_11 = arith.constant 256 : i32
    %add3A_12 = arith.addi %mul3A_10, %add3A_11 : i32
    "tpu.region"() ({
      %run_scoped3A = tpu.sem_alloc : memref<!tpu.dma_semaphore, #tpu.memory_space<semaphore_mem>>
      %dma_start3A = arith.constant 0 : i32
      %dma_start3A_62 = tpu.memref_slice %arg10[%add3A_12, %dma_start3A] : memref<10240x48xf32, #tpu.memory_space<vmem_shared>> -> memref<128x48xf32, #tpu.memory_space<vmem_shared>>
      %dma_start3A_63 = arith.constant 0 : i32
      %dma_start3A_64 = tpu.memref_slice %arg5[%add3A_12, %dma_start3A_63] : memref<10240x48xf32, #tpu.memory_space<hbm>> -> memref<128x48xf32, #tpu.memory_space<hbm>>
      tpu.enqueue_dma source(%dma_start3A_64 : memref<128x48xf32, #tpu.memory_space<hbm>>) target(%dma_start3A_62 : memref<128x48xf32, #tpu.memory_space<vmem_shared>>) target_semaphore(%run_scoped3A : memref<!tpu.dma_semaphore, #tpu.memory_space<semaphore_mem>>)
      %dma_wait3A = arith.constant 0 : i32
      %dma_wait3A_65 = tpu.memref_slice %arg10[%add3A_12, %dma_wait3A] : memref<10240x48xf32, #tpu.memory_space<vmem_shared>> -> memref<128x48xf32, #tpu.memory_space<vmem_shared>>
      %dma_wait3A_66 = arith.constant 0 : i32
      %dma_wait3A_67 = tpu.memref_slice %arg5[%add3A_12, %dma_wait3A_66] : memref<10240x48xf32, #tpu.memory_space<hbm>> -> memref<128x48xf32, #tpu.memory_space<hbm>>
      tpu.wait_dma2 semaphore(%run_scoped3A : memref<!tpu.dma_semaphore, #tpu.memory_space<semaphore_mem>>) src(%dma_wait3A_67 : memref<128x48xf32, #tpu.memory_space<hbm>>) dst(%dma_wait3A_65 : memref<128x48xf32, #tpu.memory_space<vmem_shared>>)
      tpu.yield
    }) : () -> ()
    %mul3A_13 = arith.constant 640 : i32
    %mul3A_14 = arith.muli %arg1, %mul3A_13 : i32
    %add3A_15 = arith.constant 384 : i32
    %add3A_16 = arith.addi %mul3A_14, %add3A_15 : i32
    "tpu.region"() ({
      %run_scoped3A = tpu.sem_alloc : memref<!tpu.dma_semaphore, #tpu.memory_space<semaphore_mem>>
      %dma_start3A = arith.constant 0 : i32
      %dma_start3A_62 = tpu.memref_slice %arg10[%add3A_16, %dma_start3A] : memref<10240x48xf32, #tpu.memory_space<vmem_shared>> -> memref<128x48xf32, #tpu.memory_space<vmem_shared>>
      %dma_start3A_63 = arith.constant 0 : i32
      %dma_start3A_64 = tpu.memref_slice %arg5[%add3A_16, %dma_start3A_63] : memref<10240x48xf32, #tpu.memory_space<hbm>> -> memref<128x48xf32, #tpu.memory_space<hbm>>
      tpu.enqueue_dma source(%dma_start3A_64 : memref<128x48xf32, #tpu.memory_space<hbm>>) target(%dma_start3A_62 : memref<128x48xf32, #tpu.memory_space<vmem_shared>>) target_semaphore(%run_scoped3A : memref<!tpu.dma_semaphore, #tpu.memory_space<semaphore_mem>>)
      %dma_wait3A = arith.constant 0 : i32
      %dma_wait3A_65 = tpu.memref_slice %arg10[%add3A_16, %dma_wait3A] : memref<10240x48xf32, #tpu.memory_space<vmem_shared>> -> memref<128x48xf32, #tpu.memory_space<vmem_shared>>
      %dma_wait3A_66 = arith.constant 0 : i32
      %dma_wait3A_67 = tpu.memref_slice %arg5[%add3A_16, %dma_wait3A_66] : memref<10240x48xf32, #tpu.memory_space<hbm>> -> memref<128x48xf32, #tpu.memory_space<hbm>>
      tpu.wait_dma2 semaphore(%run_scoped3A : memref<!tpu.dma_semaphore, #tpu.memory_space<semaphore_mem>>) src(%dma_wait3A_67 : memref<128x48xf32, #tpu.memory_space<hbm>>) dst(%dma_wait3A_65 : memref<128x48xf32, #tpu.memory_space<vmem_shared>>)
      tpu.yield
    }) : () -> ()
    %mul3A_17 = arith.constant 640 : i32
    %mul3A_18 = arith.muli %arg1, %mul3A_17 : i32
    %add3A_19 = arith.constant 512 : i32
    %add3A_20 = arith.addi %mul3A_18, %add3A_19 : i32
    "tpu.region"() ({
      %run_scoped3A = tpu.sem_alloc : memref<!tpu.dma_semaphore, #tpu.memory_space<semaphore_mem>>
      %dma_start3A = arith.constant 0 : i32
      %dma_start3A_62 = tpu.memref_slice %arg10[%add3A_20, %dma_start3A] : memref<10240x48xf32, #tpu.memory_space<vmem_shared>> -> memref<128x48xf32, #tpu.memory_space<vmem_shared>>
      %dma_start3A_63 = arith.constant 0 : i32
      %dma_start3A_64 = tpu.memref_slice %arg5[%add3A_20, %dma_start3A_63] : memref<10240x48xf32, #tpu.memory_space<hbm>> -> memref<128x48xf32, #tpu.memory_space<hbm>>
      tpu.enqueue_dma source(%dma_start3A_64 : memref<128x48xf32, #tpu.memory_space<hbm>>) target(%dma_start3A_62 : memref<128x48xf32, #tpu.memory_space<vmem_shared>>) target_semaphore(%run_scoped3A : memref<!tpu.dma_semaphore, #tpu.memory_space<semaphore_mem>>)
      %dma_wait3A = arith.constant 0 : i32
      %dma_wait3A_65 = tpu.memref_slice %arg10[%add3A_20, %dma_wait3A] : memref<10240x48xf32, #tpu.memory_space<vmem_shared>> -> memref<128x48xf32, #tpu.memory_space<vmem_shared>>
      %dma_wait3A_66 = arith.constant 0 : i32
      %dma_wait3A_67 = tpu.memref_slice %arg5[%add3A_20, %dma_wait3A_66] : memref<10240x48xf32, #tpu.memory_space<hbm>> -> memref<128x48xf32, #tpu.memory_space<hbm>>
      tpu.wait_dma2 semaphore(%run_scoped3A : memref<!tpu.dma_semaphore, #tpu.memory_space<semaphore_mem>>) src(%dma_wait3A_67 : memref<128x48xf32, #tpu.memory_space<hbm>>) dst(%dma_wait3A_65 : memref<128x48xf32, #tpu.memory_space<vmem_shared>>)
      tpu.yield
    }) : () -> ()
    %barrier3A = arith.constant 0 : index
    tpu.barrier barrier_id(%barrier3A)
    %scan3A = arith.constant 0 : i32
    %scan3A_21 = arith.constant 0 : i32
    %scan3A_22 = arith.constant 80 : i32
    %scan3A_23 = arith.addi %scan3A_21, %scan3A_22 : i32
    %scan3A_24 = arith.constant 1 : i32
    scf.for %scan3A_62 = %scan3A_21 to %scan3A_23 step %scan3A_24  : i32 {
      %mul3A_63 = arith.constant 80 : i32
      %mul3A_64 = arith.muli %add3A, %mul3A_63 : i32
      %add3A_65 = arith.addi %mul3A_64, %scan3A_62 : i32
      %mul3A_66 = arith.constant 128 : i32
      %mul3A_67 = arith.muli %add3A_65, %mul3A_66 : i32
      "tpu.region"() ({
        %run_scoped3A = tpu.sem_alloc : memref<!tpu.dma_semaphore, #tpu.memory_space<semaphore_mem>>
        %dma_start3A_72 = tpu.memref_slice %arg3[%mul3A_67] : memref<327680xi32, #tpu.memory_space<hbm>> -> memref<128xi32, #tpu.memory_space<hbm>>
        %dma_start3A_73 = tpu.memref_slice %arg3[%mul3A_67] : memref<327680xi32, #tpu.memory_space<hbm>> -> memref<128xi32, #tpu.memory_space<hbm>>
        tpu.enqueue_dma source(%dma_start3A_73 : memref<128xi32, #tpu.memory_space<hbm>>) target(%arg7 : memref<128xi32, #tpu.memory_space<vmem>>) target_semaphore(%run_scoped3A : memref<!tpu.dma_semaphore, #tpu.memory_space<semaphore_mem>>)
        %dma_wait3A_74 = tpu.memref_slice %arg3[%mul3A_67] : memref<327680xi32, #tpu.memory_space<hbm>> -> memref<128xi32, #tpu.memory_space<hbm>>
        %dma_wait3A_75 = tpu.memref_slice %arg3[%mul3A_67] : memref<327680xi32, #tpu.memory_space<hbm>> -> memref<128xi32, #tpu.memory_space<hbm>>
        tpu.wait_dma2 semaphore(%run_scoped3A : memref<!tpu.dma_semaphore, #tpu.memory_space<semaphore_mem>>) src(%dma_wait3A_75 : memref<128xi32, #tpu.memory_space<hbm>>) dst(%arg7 : memref<128xi32, #tpu.memory_space<vmem>>)
        tpu.yield
      }) : () -> ()
      "tpu.region"() ({
        %run_scoped3A = tpu.sem_alloc : memref<!tpu.dma_semaphore, #tpu.memory_space<semaphore_mem>>
        %dma_start3A_72 = tpu.memref_slice %arg4[%mul3A_67] : memref<327680xi32, #tpu.memory_space<hbm>> -> memref<128xi32, #tpu.memory_space<hbm>>
        %dma_start3A_73 = tpu.memref_slice %arg4[%mul3A_67] : memref<327680xi32, #tpu.memory_space<hbm>> -> memref<128xi32, #tpu.memory_space<hbm>>
        tpu.enqueue_dma source(%dma_start3A_73 : memref<128xi32, #tpu.memory_space<hbm>>) target(%arg8 : memref<128xi32, #tpu.memory_space<vmem>>) target_semaphore(%run_scoped3A : memref<!tpu.dma_semaphore, #tpu.memory_space<semaphore_mem>>)
        %dma_wait3A_74 = tpu.memref_slice %arg4[%mul3A_67] : memref<327680xi32, #tpu.memory_space<hbm>> -> memref<128xi32, #tpu.memory_space<hbm>>
        %dma_wait3A_75 = tpu.memref_slice %arg4[%mul3A_67] : memref<327680xi32, #tpu.memory_space<hbm>> -> memref<128xi32, #tpu.memory_space<hbm>>
        tpu.wait_dma2 semaphore(%run_scoped3A : memref<!tpu.dma_semaphore, #tpu.memory_space<semaphore_mem>>) src(%dma_wait3A_75 : memref<128xi32, #tpu.memory_space<hbm>>) dst(%arg8 : memref<128xi32, #tpu.memory_space<vmem>>)
        tpu.yield
      }) : () -> ()
      %dma_start3A = arith.constant 0 : i32
      %dma_start3A_68 = arith.constant 0 : i32
      %dma_start3A_69 = tpu.memref_slice %arg2[%dma_start3A, %dma_start3A_68] : memref<10240x48xf32, #tpu.memory_space<hbm>> -> memref<10240x48xf32, #tpu.memory_space<hbm>>
      tpu.enqueue_indirect_dma source(%dma_start3A_69 : memref<10240x48xf32, #tpu.memory_space<hbm>>) target(%arg9 : memref<128x48xf32, #tpu.memory_space<vmem>>) offsets(%arg7 : memref<128xi32, #tpu.memory_space<vmem>>) semaphore(%arg11 : memref<!tpu.dma_semaphore, #tpu.memory_space<semaphore_mem>>)
      %dma_wait3A = arith.constant 0 : i32
      %dma_wait3A_70 = arith.constant 0 : i32
      %dma_wait3A_71 = tpu.memref_slice %arg2[%dma_wait3A, %dma_wait3A_70] : memref<10240x48xf32, #tpu.memory_space<hbm>> -> memref<10240x48xf32, #tpu.memory_space<hbm>>
      tpu.wait_indirect_dma semaphore(%arg11 : memref<!tpu.dma_semaphore, #tpu.memory_space<semaphore_mem>>) src(%dma_wait3A_71 : memref<10240x48xf32, #tpu.memory_space<hbm>>) dst(%arg9 : memref<128x48xf32, #tpu.memory_space<vmem>>)
      "tpu.region"() ({
        %run_scoped3A = tpu.sem_alloc : memref<!tpu.dma_semaphore, #tpu.memory_space<semaphore_mem>>
        %dma_start3A_72 = arith.constant 0 : i32
        %dma_start3A_73 = arith.constant 0 : i32
        %dma_start3A_74 = tpu.memref_slice %arg10[%dma_start3A_72, %dma_start3A_73] : memref<10240x48xf32, #tpu.memory_space<vmem_shared>> -> memref<10240x48xf32, #tpu.memory_space<vmem_shared>>
        tpu.enqueue_indirect_dma source(%arg9 : memref<128x48xf32, #tpu.memory_space<vmem>>) target(%dma_start3A_74 : memref<10240x48xf32, #tpu.memory_space<vmem_shared>>) offsets(%arg8 : memref<128xi32, #tpu.memory_space<vmem>>) semaphore(%run_scoped3A : memref<!tpu.dma_semaphore, #tpu.memory_space<semaphore_mem>>) {add = true}
        %dma_wait3A_75 = arith.constant 0 : i32
        %dma_wait3A_76 = arith.constant 0 : i32
        %dma_wait3A_77 = tpu.memref_slice %arg10[%dma_wait3A_75, %dma_wait3A_76] : memref<10240x48xf32, #tpu.memory_space<vmem_shared>> -> memref<10240x48xf32, #tpu.memory_space<vmem_shared>>
        tpu.wait_indirect_dma semaphore(%run_scoped3A : memref<!tpu.dma_semaphore, #tpu.memory_space<semaphore_mem>>) src(%arg9 : memref<128x48xf32, #tpu.memory_space<vmem>>) dst(%dma_wait3A_77 : memref<10240x48xf32, #tpu.memory_space<vmem_shared>>)
        tpu.yield
      }) : () -> ()
    }
    %scan3A_25 = arith.constant 80 : i32
    %barrier3A_26 = arith.constant 0 : index
    tpu.barrier barrier_id(%barrier3A_26)
    %mul3A_27 = arith.constant 640 : i32
    %mul3A_28 = arith.muli %arg1, %mul3A_27 : i32
    %add3A_29 = arith.constant 0 : i32
    %add3A_30 = arith.addi %mul3A_28, %add3A_29 : i32
    %mul3A_31 = arith.constant 10240 : i32
    %mul3A_32 = arith.muli %arg0, %mul3A_31 : i32
    %add3A_33 = arith.addi %mul3A_32, %add3A_30 : i32
    "tpu.region"() ({
      %run_scoped3A = tpu.sem_alloc : memref<!tpu.dma_semaphore, #tpu.memory_space<semaphore_mem>>
      %dma_start3A = arith.constant 0 : i32
      %dma_start3A_62 = tpu.memref_slice %arg6[%add3A_33, %dma_start3A] : memref<20480x48xf32, #tpu.memory_space<hbm>> -> memref<128x48xf32, #tpu.memory_space<hbm>>
      %dma_start3A_63 = arith.constant 0 : i32
      %dma_start3A_64 = tpu.memref_slice %arg10[%add3A_30, %dma_start3A_63] : memref<10240x48xf32, #tpu.memory_space<vmem_shared>> -> memref<128x48xf32, #tpu.memory_space<vmem_shared>>
      tpu.enqueue_dma source(%dma_start3A_64 : memref<128x48xf32, #tpu.memory_space<vmem_shared>>) target(%dma_start3A_62 : memref<128x48xf32, #tpu.memory_space<hbm>>) target_semaphore(%run_scoped3A : memref<!tpu.dma_semaphore, #tpu.memory_space<semaphore_mem>>)
      %dma_wait3A = arith.constant 0 : i32
      %dma_wait3A_65 = tpu.memref_slice %arg6[%add3A_33, %dma_wait3A] : memref<20480x48xf32, #tpu.memory_space<hbm>> -> memref<128x48xf32, #tpu.memory_space<hbm>>
      %dma_wait3A_66 = arith.constant 0 : i32
      %dma_wait3A_67 = tpu.memref_slice %arg10[%add3A_30, %dma_wait3A_66] : memref<10240x48xf32, #tpu.memory_space<vmem_shared>> -> memref<128x48xf32, #tpu.memory_space<vmem_shared>>
      tpu.wait_dma2 semaphore(%run_scoped3A : memref<!tpu.dma_semaphore, #tpu.memory_space<semaphore_mem>>) src(%dma_wait3A_67 : memref<128x48xf32, #tpu.memory_space<vmem_shared>>) dst(%dma_wait3A_65 : memref<128x48xf32, #tpu.memory_space<hbm>>)
      tpu.yield
    }) : () -> ()
    %mul3A_34 = arith.constant 640 : i32
    %mul3A_35 = arith.muli %arg1, %mul3A_34 : i32
    %add3A_36 = arith.constant 128 : i32
    %add3A_37 = arith.addi %mul3A_35, %add3A_36 : i32
    %mul3A_38 = arith.constant 10240 : i32
    %mul3A_39 = arith.muli %arg0, %mul3A_38 : i32
    %add3A_40 = arith.addi %mul3A_39, %add3A_37 : i32
    "tpu.region"() ({
      %run_scoped3A = tpu.sem_alloc : memref<!tpu.dma_semaphore, #tpu.memory_space<semaphore_mem>>
      %dma_start3A = arith.constant 0 : i32
      %dma_start3A_62 = tpu.memref_slice %arg6[%add3A_40, %dma_start3A] : memref<20480x48xf32, #tpu.memory_space<hbm>> -> memref<128x48xf32, #tpu.memory_space<hbm>>
      %dma_start3A_63 = arith.constant 0 : i32
      %dma_start3A_64 = tpu.memref_slice %arg10[%add3A_37, %dma_start3A_63] : memref<10240x48xf32, #tpu.memory_space<vmem_shared>> -> memref<128x48xf32, #tpu.memory_space<vmem_shared>>
      tpu.enqueue_dma source(%dma_start3A_64 : memref<128x48xf32, #tpu.memory_space<vmem_shared>>) target(%dma_start3A_62 : memref<128x48xf32, #tpu.memory_space<hbm>>) target_semaphore(%run_scoped3A : memref<!tpu.dma_semaphore, #tpu.memory_space<semaphore_mem>>)
      %dma_wait3A = arith.constant 0 : i32
      %dma_wait3A_65 = tpu.memref_slice %arg6[%add3A_40, %dma_wait3A] : memref<20480x48xf32, #tpu.memory_space<hbm>> -> memref<128x48xf32, #tpu.memory_space<hbm>>
      %dma_wait3A_66 = arith.constant 0 : i32
      %dma_wait3A_67 = tpu.memref_slice %arg10[%add3A_37, %dma_wait3A_66] : memref<10240x48xf32, #tpu.memory_space<vmem_shared>> -> memref<128x48xf32, #tpu.memory_space<vmem_shared>>
      tpu.wait_dma2 semaphore(%run_scoped3A : memref<!tpu.dma_semaphore, #tpu.memory_space<semaphore_mem>>) src(%dma_wait3A_67 : memref<128x48xf32, #tpu.memory_space<vmem_shared>>) dst(%dma_wait3A_65 : memref<128x48xf32, #tpu.memory_space<hbm>>)
      tpu.yield
    }) : () -> ()
    %mul3A_41 = arith.constant 640 : i32
    %mul3A_42 = arith.muli %arg1, %mul3A_41 : i32
    %add3A_43 = arith.constant 256 : i32
    %add3A_44 = arith.addi %mul3A_42, %add3A_43 : i32
    %mul3A_45 = arith.constant 10240 : i32
    %mul3A_46 = arith.muli %arg0, %mul3A_45 : i32
    %add3A_47 = arith.addi %mul3A_46, %add3A_44 : i32
    "tpu.region"() ({
      %run_scoped3A = tpu.sem_alloc : memref<!tpu.dma_semaphore, #tpu.memory_space<semaphore_mem>>
      %dma_start3A = arith.constant 0 : i32
      %dma_start3A_62 = tpu.memref_slice %arg6[%add3A_47, %dma_start3A] : memref<20480x48xf32, #tpu.memory_space<hbm>> -> memref<128x48xf32, #tpu.memory_space<hbm>>
      %dma_start3A_63 = arith.constant 0 : i32
      %dma_start3A_64 = tpu.memref_slice %arg10[%add3A_44, %dma_start3A_63] : memref<10240x48xf32, #tpu.memory_space<vmem_shared>> -> memref<128x48xf32, #tpu.memory_space<vmem_shared>>
      tpu.enqueue_dma source(%dma_start3A_64 : memref<128x48xf32, #tpu.memory_space<vmem_shared>>) target(%dma_start3A_62 : memref<128x48xf32, #tpu.memory_space<hbm>>) target_semaphore(%run_scoped3A : memref<!tpu.dma_semaphore, #tpu.memory_space<semaphore_mem>>)
      %dma_wait3A = arith.constant 0 : i32
      %dma_wait3A_65 = tpu.memref_slice %arg6[%add3A_47, %dma_wait3A] : memref<20480x48xf32, #tpu.memory_space<hbm>> -> memref<128x48xf32, #tpu.memory_space<hbm>>
      %dma_wait3A_66 = arith.constant 0 : i32
      %dma_wait3A_67 = tpu.memref_slice %arg10[%add3A_44, %dma_wait3A_66] : memref<10240x48xf32, #tpu.memory_space<vmem_shared>> -> memref<128x48xf32, #tpu.memory_space<vmem_shared>>
      tpu.wait_dma2 semaphore(%run_scoped3A : memref<!tpu.dma_semaphore, #tpu.memory_space<semaphore_mem>>) src(%dma_wait3A_67 : memref<128x48xf32, #tpu.memory_space<vmem_shared>>) dst(%dma_wait3A_65 : memref<128x48xf32, #tpu.memory_space<hbm>>)
      tpu.yield
    }) : () -> ()
    %mul3A_48 = arith.constant 640 : i32
    %mul3A_49 = arith.muli %arg1, %mul3A_48 : i32
    %add3A_50 = arith.constant 384 : i32
    %add3A_51 = arith.addi %mul3A_49, %add3A_50 : i32
    %mul3A_52 = arith.constant 10240 : i32
    %mul3A_53 = arith.muli %arg0, %mul3A_52 : i32
    %add3A_54 = arith.addi %mul3A_53, %add3A_51 : i32
    "tpu.region"() ({
      %run_scoped3A = tpu.sem_alloc : memref<!tpu.dma_semaphore, #tpu.memory_space<semaphore_mem>>
      %dma_start3A = arith.constant 0 : i32
      %dma_start3A_62 = tpu.memref_slice %arg6[%add3A_54, %dma_start3A] : memref<20480x48xf32, #tpu.memory_space<hbm>> -> memref<128x48xf32, #tpu.memory_space<hbm>>
      %dma_start3A_63 = arith.constant 0 : i32
      %dma_start3A_64 = tpu.memref_slice %arg10[%add3A_51, %dma_start3A_63] : memref<10240x48xf32, #tpu.memory_space<vmem_shared>> -> memref<128x48xf32, #tpu.memory_space<vmem_shared>>
      tpu.enqueue_dma source(%dma_start3A_64 : memref<128x48xf32, #tpu.memory_space<vmem_shared>>) target(%dma_start3A_62 : memref<128x48xf32, #tpu.memory_space<hbm>>) target_semaphore(%run_scoped3A : memref<!tpu.dma_semaphore, #tpu.memory_space<semaphore_mem>>)
      %dma_wait3A = arith.constant 0 : i32
      %dma_wait3A_65 = tpu.memref_slice %arg6[%add3A_54, %dma_wait3A] : memref<20480x48xf32, #tpu.memory_space<hbm>> -> memref<128x48xf32, #tpu.memory_space<hbm>>
      %dma_wait3A_66 = arith.constant 0 : i32
      %dma_wait3A_67 = tpu.memref_slice %arg10[%add3A_51, %dma_wait3A_66] : memref<10240x48xf32, #tpu.memory_space<vmem_shared>> -> memref<128x48xf32, #tpu.memory_space<vmem_shared>>
      tpu.wait_dma2 semaphore(%run_scoped3A : memref<!tpu.dma_semaphore, #tpu.memory_space<semaphore_mem>>) src(%dma_wait3A_67 : memref<128x48xf32, #tpu.memory_space<vmem_shared>>) dst(%dma_wait3A_65 : memref<128x48xf32, #tpu.memory_space<hbm>>)
      tpu.yield
    }) : () -> ()
    %mul3A_55 = arith.constant 640 : i32
    %mul3A_56 = arith.muli %arg1, %mul3A_55 : i32
    %add3A_57 = arith.constant 512 : i32
    %add3A_58 = arith.addi %mul3A_56, %add3A_57 : i32
    %mul3A_59 = arith.constant 10240 : i32
    %mul3A_60 = arith.muli %arg0, %mul3A_59 : i32
    %add3A_61 = arith.addi %mul3A_60, %add3A_58 : i32
    "tpu.region"() ({
      %run_scoped3A = tpu.sem_alloc : memref<!tpu.dma_semaphore, #tpu.memory_space<semaphore_mem>>
      %dma_start3A = arith.constant 0 : i32
      %dma_start3A_62 = tpu.memref_slice %arg6[%add3A_61, %dma_start3A] : memref<20480x48xf32, #tpu.memory_space<hbm>> -> memref<128x48xf32, #tpu.memory_space<hbm>>
      %dma_start3A_63 = arith.constant 0 : i32
      %dma_start3A_64 = tpu.memref_slice %arg10[%add3A_58, %dma_start3A_63] : memref<10240x48xf32, #tpu.memory_space<vmem_shared>> -> memref<128x48xf32, #tpu.memory_space<vmem_shared>>
      tpu.enqueue_dma source(%dma_start3A_64 : memref<128x48xf32, #tpu.memory_space<vmem_shared>>) target(%dma_start3A_62 : memref<128x48xf32, #tpu.memory_space<hbm>>) target_semaphore(%run_scoped3A : memref<!tpu.dma_semaphore, #tpu.memory_space<semaphore_mem>>)
      %dma_wait3A = arith.constant 0 : i32
      %dma_wait3A_65 = tpu.memref_slice %arg6[%add3A_61, %dma_wait3A] : memref<20480x48xf32, #tpu.memory_space<hbm>> -> memref<128x48xf32, #tpu.memory_space<hbm>>
      %dma_wait3A_66 = arith.constant 0 : i32
      %dma_wait3A_67 = tpu.memref_slice %arg10[%add3A_58, %dma_wait3A_66] : memref<10240x48xf32, #tpu.memory_space<vmem_shared>> -> memref<128x48xf32, #tpu.memory_space<vmem_shared>>
      tpu.wait_dma2 semaphore(%run_scoped3A : memref<!tpu.dma_semaphore, #tpu.memory_space<semaphore_mem>>) src(%dma_wait3A_67 : memref<128x48xf32, #tpu.memory_space<vmem_shared>>) dst(%dma_wait3A_65 : memref<128x48xf32, #tpu.memory_space<hbm>>)
      tpu.yield
    }) : () -> ()
    return
  }
}

#map = affine_map<(d0, d1) -> (0)>
module attributes {stable_mosaic.version = 14 : i64} {
  func.func @_deg_kernel(%arg0: i32, %arg1: i32, %arg2: memref<327680xi32, #tpu.memory_space<hbm>>, %arg3: memref<10240xf32, #tpu.memory_space<hbm>>, %arg4: memref<20480xf32, #tpu.memory_space<hbm>>, %arg5: memref<128xi32, #tpu.memory_space<vmem>>, %arg6: memref<128xf32, #tpu.memory_space<vmem>>, %arg7: memref<640xf32, #tpu.memory_space<vmem>>, %arg8: memref<10240xf32, #tpu.memory_space<vmem_shared>>) attributes {dimension_semantics = [#tpu.dimension_semantics<core_parallel>, #tpu.dimension_semantics<subcore_parallel>], iteration_bounds = array<i64: 2, 16>, scalar_prefetch = 0 : i64, scratch_operands = 4 : i64, tpu.core_type = #tpu.core_type<sc_vector_subcore>, window_params = [{transform_indices = #map}, {transform_indices = #map}, {transform_indices = #map}]} {
    %mul3A = arith.constant 2 : i32
    %mul3A_0 = arith.muli %arg1, %mul3A : i32
    %add3A = arith.addi %mul3A_0, %arg0 : i32
    %mul3A_1 = arith.constant 640 : i32
    %mul3A_2 = arith.muli %arg1, %mul3A_1 : i32
    "tpu.region"() ({
      %run_scoped3A = tpu.sem_alloc : memref<!tpu.dma_semaphore, #tpu.memory_space<semaphore_mem>>
      %dma_start3A = tpu.memref_slice %arg3[%mul3A_2] : memref<10240xf32, #tpu.memory_space<hbm>> -> memref<640xf32, #tpu.memory_space<hbm>>
      %dma_start3A_64 = tpu.memref_slice %arg3[%mul3A_2] : memref<10240xf32, #tpu.memory_space<hbm>> -> memref<640xf32, #tpu.memory_space<hbm>>
      tpu.enqueue_dma source(%dma_start3A_64 : memref<640xf32, #tpu.memory_space<hbm>>) target(%arg7 : memref<640xf32, #tpu.memory_space<vmem>>) target_semaphore(%run_scoped3A : memref<!tpu.dma_semaphore, #tpu.memory_space<semaphore_mem>>)
      %dma_wait3A = tpu.memref_slice %arg3[%mul3A_2] : memref<10240xf32, #tpu.memory_space<hbm>> -> memref<640xf32, #tpu.memory_space<hbm>>
      %dma_wait3A_65 = tpu.memref_slice %arg3[%mul3A_2] : memref<10240xf32, #tpu.memory_space<hbm>> -> memref<640xf32, #tpu.memory_space<hbm>>
      tpu.wait_dma2 semaphore(%run_scoped3A : memref<!tpu.dma_semaphore, #tpu.memory_space<semaphore_mem>>) src(%dma_wait3A_65 : memref<640xf32, #tpu.memory_space<hbm>>) dst(%arg7 : memref<640xf32, #tpu.memory_space<vmem>>)
      tpu.yield
    }) : () -> ()
    %mul3A_3 = arith.constant 640 : i32
    %mul3A_4 = arith.muli %arg1, %mul3A_3 : i32
    "tpu.region"() ({
      %run_scoped3A = tpu.sem_alloc : memref<!tpu.dma_semaphore, #tpu.memory_space<semaphore_mem>>
      %dma_start3A = tpu.memref_slice %arg8[%mul3A_4] : memref<10240xf32, #tpu.memory_space<vmem_shared>> -> memref<640xf32, #tpu.memory_space<vmem_shared>>
      %dma_start3A_64 = tpu.memref_slice %arg8[%mul3A_4] : memref<10240xf32, #tpu.memory_space<vmem_shared>> -> memref<640xf32, #tpu.memory_space<vmem_shared>>
      tpu.enqueue_dma source(%arg7 : memref<640xf32, #tpu.memory_space<vmem>>) target(%dma_start3A_64 : memref<640xf32, #tpu.memory_space<vmem_shared>>) target_semaphore(%run_scoped3A : memref<!tpu.dma_semaphore, #tpu.memory_space<semaphore_mem>>)
      %dma_wait3A = tpu.memref_slice %arg8[%mul3A_4] : memref<10240xf32, #tpu.memory_space<vmem_shared>> -> memref<640xf32, #tpu.memory_space<vmem_shared>>
      %dma_wait3A_65 = tpu.memref_slice %arg8[%mul3A_4] : memref<10240xf32, #tpu.memory_space<vmem_shared>> -> memref<640xf32, #tpu.memory_space<vmem_shared>>
      tpu.wait_dma2 semaphore(%run_scoped3A : memref<!tpu.dma_semaphore, #tpu.memory_space<semaphore_mem>>) src(%arg7 : memref<640xf32, #tpu.memory_space<vmem>>) dst(%dma_wait3A_65 : memref<640xf32, #tpu.memory_space<vmem_shared>>)
      tpu.yield
    }) : () -> ()
    %broadcast_in_dim3A = arith.constant 1.000000e+00 : f32
    %broadcast_in_dim3A_5 = vector.broadcast %broadcast_in_dim3A : f32 to vector<16xf32>
    %swap3A = arith.constant 0 : index
    %swap3A_6 = tpu.vector_load %arg6[%swap3A] {strides = array<i32>} : memref<128xf32, #tpu.memory_space<vmem>>, vector<16xf32>,
    %swap3A_7 = vector.shape_cast %swap3A_6 : vector<16xf32> to vector<16xf32>
    %swap3A_8 = vector.shape_cast %broadcast_in_dim3A_5 : vector<16xf32> to vector<16xf32>
    tpu.vector_store %arg6[%swap3A], %swap3A_8 {strides = array<i32>} : memref<128xf32, #tpu.memory_space<vmem>>, vector<16xf32>,
    %broadcast_in_dim3A_9 = arith.constant 1.000000e+00 : f32
    %broadcast_in_dim3A_10 = vector.broadcast %broadcast_in_dim3A_9 : f32 to vector<16xf32>
    %swap3A_11 = arith.constant 16 : index
    %swap3A_12 = tpu.vector_load %arg6[%swap3A_11] {strides = array<i32>} : memref<128xf32, #tpu.memory_space<vmem>>, vector<16xf32>,
    %swap3A_13 = vector.shape_cast %swap3A_12 : vector<16xf32> to vector<16xf32>
    %swap3A_14 = vector.shape_cast %broadcast_in_dim3A_10 : vector<16xf32> to vector<16xf32>
    tpu.vector_store %arg6[%swap3A_11], %swap3A_14 {strides = array<i32>} : memref<128xf32, #tpu.memory_space<vmem>>, vector<16xf32>,
    %broadcast_in_dim3A_15 = arith.constant 1.000000e+00 : f32
    %broadcast_in_dim3A_16 = vector.broadcast %broadcast_in_dim3A_15 : f32 to vector<16xf32>
    %swap3A_17 = arith.constant 32 : index
    %swap3A_18 = tpu.vector_load %arg6[%swap3A_17] {strides = array<i32>} : memref<128xf32, #tpu.memory_space<vmem>>, vector<16xf32>,
    %swap3A_19 = vector.shape_cast %swap3A_18 : vector<16xf32> to vector<16xf32>
    %swap3A_20 = vector.shape_cast %broadcast_in_dim3A_16 : vector<16xf32> to vector<16xf32>
    tpu.vector_store %arg6[%swap3A_17], %swap3A_20 {strides = array<i32>} : memref<128xf32, #tpu.memory_space<vmem>>, vector<16xf32>,
    %broadcast_in_dim3A_21 = arith.constant 1.000000e+00 : f32
    %broadcast_in_dim3A_22 = vector.broadcast %broadcast_in_dim3A_21 : f32 to vector<16xf32>
    %swap3A_23 = arith.constant 48 : index
    %swap3A_24 = tpu.vector_load %arg6[%swap3A_23] {strides = array<i32>} : memref<128xf32, #tpu.memory_space<vmem>>, vector<16xf32>,
    %swap3A_25 = vector.shape_cast %swap3A_24 : vector<16xf32> to vector<16xf32>
    %swap3A_26 = vector.shape_cast %broadcast_in_dim3A_22 : vector<16xf32> to vector<16xf32>
    tpu.vector_store %arg6[%swap3A_23], %swap3A_26 {strides = array<i32>} : memref<128xf32, #tpu.memory_space<vmem>>, vector<16xf32>,
    %broadcast_in_dim3A_27 = arith.constant 1.000000e+00 : f32
    %broadcast_in_dim3A_28 = vector.broadcast %broadcast_in_dim3A_27 : f32 to vector<16xf32>
    %swap3A_29 = arith.constant 64 : index
    %swap3A_30 = tpu.vector_load %arg6[%swap3A_29] {strides = array<i32>} : memref<128xf32, #tpu.memory_space<vmem>>, vector<16xf32>,
    %swap3A_31 = vector.shape_cast %swap3A_30 : vector<16xf32> to vector<16xf32>
    %swap3A_32 = vector.shape_cast %broadcast_in_dim3A_28 : vector<16xf32> to vector<16xf32>
    tpu.vector_store %arg6[%swap3A_29], %swap3A_32 {strides = array<i32>} : memref<128xf32, #tpu.memory_space<vmem>>, vector<16xf32>,
    %broadcast_in_dim3A_33 = arith.constant 1.000000e+00 : f32
    %broadcast_in_dim3A_34 = vector.broadcast %broadcast_in_dim3A_33 : f32 to vector<16xf32>
    %swap3A_35 = arith.constant 80 : index
    %swap3A_36 = tpu.vector_load %arg6[%swap3A_35] {strides = array<i32>} : memref<128xf32, #tpu.memory_space<vmem>>, vector<16xf32>,
    %swap3A_37 = vector.shape_cast %swap3A_36 : vector<16xf32> to vector<16xf32>
    %swap3A_38 = vector.shape_cast %broadcast_in_dim3A_34 : vector<16xf32> to vector<16xf32>
    tpu.vector_store %arg6[%swap3A_35], %swap3A_38 {strides = array<i32>} : memref<128xf32, #tpu.memory_space<vmem>>, vector<16xf32>,
    %broadcast_in_dim3A_39 = arith.constant 1.000000e+00 : f32
    %broadcast_in_dim3A_40 = vector.broadcast %broadcast_in_dim3A_39 : f32 to vector<16xf32>
    %swap3A_41 = arith.constant 96 : index
    %swap3A_42 = tpu.vector_load %arg6[%swap3A_41] {strides = array<i32>} : memref<128xf32, #tpu.memory_space<vmem>>, vector<16xf32>,
    %swap3A_43 = vector.shape_cast %swap3A_42 : vector<16xf32> to vector<16xf32>
    %swap3A_44 = vector.shape_cast %broadcast_in_dim3A_40 : vector<16xf32> to vector<16xf32>
    tpu.vector_store %arg6[%swap3A_41], %swap3A_44 {strides = array<i32>} : memref<128xf32, #tpu.memory_space<vmem>>, vector<16xf32>,
    %broadcast_in_dim3A_45 = arith.constant 1.000000e+00 : f32
    %broadcast_in_dim3A_46 = vector.broadcast %broadcast_in_dim3A_45 : f32 to vector<16xf32>
    %swap3A_47 = arith.constant 112 : index
    %swap3A_48 = tpu.vector_load %arg6[%swap3A_47] {strides = array<i32>} : memref<128xf32, #tpu.memory_space<vmem>>, vector<16xf32>,
    %swap3A_49 = vector.shape_cast %swap3A_48 : vector<16xf32> to vector<16xf32>
    %swap3A_50 = vector.shape_cast %broadcast_in_dim3A_46 : vector<16xf32> to vector<16xf32>
    tpu.vector_store %arg6[%swap3A_47], %swap3A_50 {strides = array<i32>} : memref<128xf32, #tpu.memory_space<vmem>>, vector<16xf32>,
    %barrier3A = arith.constant 0 : index
    tpu.barrier barrier_id(%barrier3A)
    %scan3A = arith.constant 0 : i32
    %scan3A_51 = arith.constant 0 : i32
    %scan3A_52 = arith.constant 80 : i32
    %scan3A_53 = arith.addi %scan3A_51, %scan3A_52 : i32
    %scan3A_54 = arith.constant 1 : i32
    scf.for %scan3A_64 = %scan3A_51 to %scan3A_53 step %scan3A_54  : i32 {
      %mul3A_65 = arith.constant 80 : i32
      %mul3A_66 = arith.muli %add3A, %mul3A_65 : i32
      %add3A_67 = arith.addi %mul3A_66, %scan3A_64 : i32
      %mul3A_68 = arith.constant 128 : i32
      %mul3A_69 = arith.muli %add3A_67, %mul3A_68 : i32
      "tpu.region"() ({
        %run_scoped3A = tpu.sem_alloc : memref<!tpu.dma_semaphore, #tpu.memory_space<semaphore_mem>>
        %dma_start3A = tpu.memref_slice %arg2[%mul3A_69] : memref<327680xi32, #tpu.memory_space<hbm>> -> memref<128xi32, #tpu.memory_space<hbm>>
        %dma_start3A_70 = tpu.memref_slice %arg2[%mul3A_69] : memref<327680xi32, #tpu.memory_space<hbm>> -> memref<128xi32, #tpu.memory_space<hbm>>
        tpu.enqueue_dma source(%dma_start3A_70 : memref<128xi32, #tpu.memory_space<hbm>>) target(%arg5 : memref<128xi32, #tpu.memory_space<vmem>>) target_semaphore(%run_scoped3A : memref<!tpu.dma_semaphore, #tpu.memory_space<semaphore_mem>>)
        %dma_wait3A = tpu.memref_slice %arg2[%mul3A_69] : memref<327680xi32, #tpu.memory_space<hbm>> -> memref<128xi32, #tpu.memory_space<hbm>>
        %dma_wait3A_71 = tpu.memref_slice %arg2[%mul3A_69] : memref<327680xi32, #tpu.memory_space<hbm>> -> memref<128xi32, #tpu.memory_space<hbm>>
        tpu.wait_dma2 semaphore(%run_scoped3A : memref<!tpu.dma_semaphore, #tpu.memory_space<semaphore_mem>>) src(%dma_wait3A_71 : memref<128xi32, #tpu.memory_space<hbm>>) dst(%arg5 : memref<128xi32, #tpu.memory_space<vmem>>)
        tpu.yield
      }) : () -> ()
      "tpu.region"() ({
        %run_scoped3A = tpu.sem_alloc : memref<!tpu.dma_semaphore, #tpu.memory_space<semaphore_mem>>
        %dma_start3A = arith.constant 0 : i32
        %dma_start3A_70 = tpu.memref_slice %arg8[%dma_start3A] : memref<10240xf32, #tpu.memory_space<vmem_shared>> -> memref<10240xf32, #tpu.memory_space<vmem_shared>>
        tpu.enqueue_indirect_dma source(%arg6 : memref<128xf32, #tpu.memory_space<vmem>>) target(%dma_start3A_70 : memref<10240xf32, #tpu.memory_space<vmem_shared>>) offsets(%arg5 : memref<128xi32, #tpu.memory_space<vmem>>) semaphore(%run_scoped3A : memref<!tpu.dma_semaphore, #tpu.memory_space<semaphore_mem>>) {add = true}
        %dma_wait3A = arith.constant 0 : i32
        %dma_wait3A_71 = tpu.memref_slice %arg8[%dma_wait3A] : memref<10240xf32, #tpu.memory_space<vmem_shared>> -> memref<10240xf32, #tpu.memory_space<vmem_shared>>
        tpu.wait_indirect_dma semaphore(%run_scoped3A : memref<!tpu.dma_semaphore, #tpu.memory_space<semaphore_mem>>) src(%arg6 : memref<128xf32, #tpu.memory_space<vmem>>) dst(%dma_wait3A_71 : memref<10240xf32, #tpu.memory_space<vmem_shared>>)
        tpu.yield
      }) : () -> ()
    }
    %scan3A_55 = arith.constant 80 : i32
    %barrier3A_56 = arith.constant 0 : index
    tpu.barrier barrier_id(%barrier3A_56)
    %mul3A_57 = arith.constant 640 : i32
    %mul3A_58 = arith.muli %arg1, %mul3A_57 : i32
    "tpu.region"() ({
      %run_scoped3A = tpu.sem_alloc : memref<!tpu.dma_semaphore, #tpu.memory_space<semaphore_mem>>
      %dma_start3A = tpu.memref_slice %arg8[%mul3A_58] : memref<10240xf32, #tpu.memory_space<vmem_shared>> -> memref<640xf32, #tpu.memory_space<vmem_shared>>
      %dma_start3A_64 = tpu.memref_slice %arg8[%mul3A_58] : memref<10240xf32, #tpu.memory_space<vmem_shared>> -> memref<640xf32, #tpu.memory_space<vmem_shared>>
      tpu.enqueue_dma source(%dma_start3A_64 : memref<640xf32, #tpu.memory_space<vmem_shared>>) target(%arg7 : memref<640xf32, #tpu.memory_space<vmem>>) target_semaphore(%run_scoped3A : memref<!tpu.dma_semaphore, #tpu.memory_space<semaphore_mem>>)
      %dma_wait3A = tpu.memref_slice %arg8[%mul3A_58] : memref<10240xf32, #tpu.memory_space<vmem_shared>> -> memref<640xf32, #tpu.memory_space<vmem_shared>>
      %dma_wait3A_65 = tpu.memref_slice %arg8[%mul3A_58] : memref<10240xf32, #tpu.memory_space<vmem_shared>> -> memref<640xf32, #tpu.memory_space<vmem_shared>>
      tpu.wait_dma2 semaphore(%run_scoped3A : memref<!tpu.dma_semaphore, #tpu.memory_space<semaphore_mem>>) src(%dma_wait3A_65 : memref<640xf32, #tpu.memory_space<vmem_shared>>) dst(%arg7 : memref<640xf32, #tpu.memory_space<vmem>>)
      tpu.yield
    }) : () -> ()
    %mul3A_59 = arith.constant 10240 : i32
    %mul3A_60 = arith.muli %arg0, %mul3A_59 : i32
    %mul3A_61 = arith.constant 640 : i32
    %mul3A_62 = arith.muli %arg1, %mul3A_61 : i32
    %add3A_63 = arith.addi %mul3A_60, %mul3A_62 : i32
    "tpu.region"() ({
      %run_scoped3A = tpu.sem_alloc : memref<!tpu.dma_semaphore, #tpu.memory_space<semaphore_mem>>
      %dma_start3A = tpu.memref_slice %arg4[%add3A_63] : memref<20480xf32, #tpu.memory_space<hbm>> -> memref<640xf32, #tpu.memory_space<hbm>>
      %dma_start3A_64 = tpu.memref_slice %arg4[%add3A_63] : memref<20480xf32, #tpu.memory_space<hbm>> -> memref<640xf32, #tpu.memory_space<hbm>>
      tpu.enqueue_dma source(%arg7 : memref<640xf32, #tpu.memory_space<vmem>>) target(%dma_start3A_64 : memref<640xf32, #tpu.memory_space<hbm>>) target_semaphore(%run_scoped3A : memref<!tpu.dma_semaphore, #tpu.memory_space<semaphore_mem>>)
      %dma_wait3A = tpu.memref_slice %arg4[%add3A_63] : memref<20480xf32, #tpu.memory_space<hbm>> -> memref<640xf32, #tpu.memory_space<hbm>>
      %dma_wait3A_65 = tpu.memref_slice %arg4[%add3A_63] : memref<20480xf32, #tpu.memory_space<hbm>> -> memref<640xf32, #tpu.memory_space<hbm>>
      tpu.wait_dma2 semaphore(%run_scoped3A : memref<!tpu.dma_semaphore, #tpu.memory_space<semaphore_mem>>) src(%arg7 : memref<640xf32, #tpu.memory_space<vmem>>) dst(%dma_wait3A_65 : memref<640xf32, #tpu.memory_space<hbm>>)
      tpu.yield
    }) : () -> ()
    return
  }
}

module attributes {stable_mosaic.version = 14 : i64} {
  func.func @_prep_body(%arg0: i32, %arg1: memref<1024x1xf32, #tpu.memory_space<vmem>>, %arg2: memref<1024x1xf32, #tpu.memory_space<vmem>>, %arg3: memref<1024x128xf32, #tpu.memory_space<vmem>>, %arg4: memref<1024x1xf32, #tpu.memory_space<vmem>>, %arg5: memref<1024x128xf32, #tpu.memory_space<vmem>>) attributes {dimension_semantics = [#tpu.dimension_semantics<arbitrary>], iteration_bounds = array<i64: 10>, scalar_prefetch = 0 : i64, scratch_operands = 0 : i64, tpu.core_type = #tpu.core_type<tc>, window_params = [{transform_indices = @transform_0, window_bounds = array<i64: 1024, 1>}, {transform_indices = @transform_1, window_bounds = array<i64: 1024, 1>}, {transform_indices = @transform_2, window_bounds = array<i64: 1024, 128>}, {transform_indices = @transform_3, window_bounds = array<i64: 1024, 1>}, {transform_indices = @transform_4, window_bounds = array<i64: 1024, 128>}]} {
    %get3A = arith.constant 0 : index
    %get3A_0 = arith.constant 0 : index
    %get3A_1 = vector.load %arg1[%get3A, %get3A_0] : memref<1024x1xf32, #tpu.memory_space<vmem>>, vector<1024x1xf32>
    %get3A_2 = arith.constant 0 : index
    %get3A_3 = arith.constant 0 : index
    %get3A_4 = vector.load %arg2[%get3A_2, %get3A_3] : memref<1024x1xf32, #tpu.memory_space<vmem>>, vector<1024x1xf32>
    %add3A = arith.addf %get3A_1, %get3A_4 : vector<1024x1xf32>
    %add3A_5 = arith.constant 1.000000e+00 : f32
    %add3A_6 = vector.broadcast %add3A_5 : f32 to vector<1024x1xf32>
    %add3A_7 = arith.addf %add3A, %add3A_6 : vector<1024x1xf32>
    %rsqrt3A = math.rsqrt %add3A_7 : vector<1024x1xf32>
    %swap3A = arith.constant 0 : index
    %swap3A_8 = arith.constant 0 : index
    %swap3A_9 = vector.load %arg4[%swap3A, %swap3A_8] : memref<1024x1xf32, #tpu.memory_space<vmem>>, vector<1024x1xf32>
    tpu.vector_store %arg4[%swap3A, %swap3A_8], %rsqrt3A {strides = array<i32>} : memref<1024x1xf32, #tpu.memory_space<vmem>>, vector<1024x1xf32>,
    %get3A_10 = arith.constant 0 : index
    %get3A_11 = arith.constant 0 : index
    %get3A_12 = vector.load %arg3[%get3A_10, %get3A_11] : memref<1024x128xf32, #tpu.memory_space<vmem>>, vector<1024x128xf32>
    %mul3A = vector.broadcast %rsqrt3A : vector<1024x1xf32> to vector<1024x128xf32>
    %mul3A_13 = arith.mulf %get3A_12, %mul3A : vector<1024x128xf32>
    %swap3A_14 = arith.constant 0 : index
    %swap3A_15 = arith.constant 0 : index
    %swap3A_16 = vector.load %arg5[%swap3A_14, %swap3A_15] : memref<1024x128xf32, #tpu.memory_space<vmem>>, vector<1024x128xf32>
    tpu.vector_store %arg5[%swap3A_14, %swap3A_15], %mul3A_13 {strides = array<i32>} : memref<1024x128xf32, #tpu.memory_space<vmem>>, vector<1024x128xf32>,
    return
  }
  func.func @transform_0(%arg0: i32) -> (i32, i32) {
    %c0_i32 = arith.constant 0 : i32
    %c0_i32_0 = arith.constant 0 : i32
    return %arg0, %c0_i32 : i32, i32
  }
  func.func @transform_1(%arg0: i32) -> (i32, i32) {
    %c0_i32 = arith.constant 0 : i32
    %c0_i32_0 = arith.constant 0 : i32
    return %arg0, %c0_i32 : i32, i32
  }
  func.func @transform_2(%arg0: i32) -> (i32, i32) {
    %c0_i32 = arith.constant 0 : i32
    %c0_i32_0 = arith.constant 0 : i32
    return %arg0, %c0_i32 : i32, i32
  }
  func.func @transform_3(%arg0: i32) -> (i32, i32) {
    %c0_i32 = arith.constant 0 : i32
    %c0_i32_0 = arith.constant 0 : i32
    return %arg0, %c0_i32 : i32, i32
  }
  func.func @transform_4(%arg0: i32) -> (i32, i32) {
    %c0_i32 = arith.constant 0 : i32
    %c0_i32_0 = arith.constant 0 : i32
    return %arg0, %c0_i32 : i32, i32
  }
}

module attributes {stable_mosaic.version = 14 : i64} {
  func.func @_mid_body(%arg0: i32, %arg1: memref<1024x128xf32, #tpu.memory_space<vmem>>, %arg2: memref<1024x128xf32, #tpu.memory_space<vmem>>, %arg3: memref<1024x128xf32, #tpu.memory_space<vmem>>, %arg4: memref<1024x1xf32, #tpu.memory_space<vmem>>, %arg5: memref<128x256xf32, #tpu.memory_space<vmem>>, %arg6: memref<1x256xf32, #tpu.memory_space<vmem>>, %arg7: memref<256x48xf32, #tpu.memory_space<vmem>>, %arg8: memref<1024x48xf32, #tpu.memory_space<vmem>>) attributes {dimension_semantics = [#tpu.dimension_semantics<arbitrary>], iteration_bounds = array<i64: 10>, scalar_prefetch = 0 : i64, scratch_operands = 0 : i64, tpu.core_type = #tpu.core_type<tc>, window_params = [{transform_indices = @transform_0, window_bounds = array<i64: 1024, 128>}, {transform_indices = @transform_1, window_bounds = array<i64: 1024, 128>}, {transform_indices = @transform_2, window_bounds = array<i64: 1024, 128>}, {transform_indices = @transform_3, window_bounds = array<i64: 1024, 1>}, {pipeline_mode = #tpu.pipeline_mode<synchronous>, transform_indices = @transform_4, window_bounds = array<i64: 128, 256>}, {pipeline_mode = #tpu.pipeline_mode<synchronous>, transform_indices = @transform_5, window_bounds = array<i64: 1, 256>}, {pipeline_mode = #tpu.pipeline_mode<synchronous>, transform_indices = @transform_6, window_bounds = array<i64: 256, 48>}, {transform_indices = @transform_7, window_bounds = array<i64: 1024, 48>}]} {
    %get3A = arith.constant 0 : index
    %get3A_0 = arith.constant 0 : index
    %get3A_1 = vector.load %arg1[%get3A, %get3A_0] : memref<1024x128xf32, #tpu.memory_space<vmem>>, vector<1024x128xf32>
    %get3A_2 = arith.constant 0 : index
    %get3A_3 = arith.constant 0 : index
    %get3A_4 = vector.load %arg2[%get3A_2, %get3A_3] : memref<1024x128xf32, #tpu.memory_space<vmem>>, vector<1024x128xf32>
    %add3A = arith.addf %get3A_1, %get3A_4 : vector<1024x128xf32>
    %get3A_5 = arith.constant 0 : index
    %get3A_6 = arith.constant 0 : index
    %get3A_7 = vector.load %arg3[%get3A_5, %get3A_6] : memref<1024x128xf32, #tpu.memory_space<vmem>>, vector<1024x128xf32>
    %add3A_8 = arith.addf %add3A, %get3A_7 : vector<1024x128xf32>
    %get3A_9 = arith.constant 0 : index
    %get3A_10 = arith.constant 0 : index
    %get3A_11 = vector.load %arg4[%get3A_9, %get3A_10] : memref<1024x1xf32, #tpu.memory_space<vmem>>, vector<1024x1xf32>
    %mul3A = vector.broadcast %get3A_11 : vector<1024x1xf32> to vector<1024x128xf32>
    %mul3A_12 = arith.mulf %add3A_8, %mul3A : vector<1024x128xf32>
    %get3A_13 = arith.constant 0 : index
    %get3A_14 = arith.constant 0 : index
    %get3A_15 = vector.load %arg5[%get3A_13, %get3A_14] : memref<128x256xf32, #tpu.memory_space<vmem>>, vector<128x256xf32>
    %dot_general3A = arith.constant dense<0.000000e+00> : vector<1024x256xf32>
    %dot_general3A_16 = tpu.matmul %mul3A_12, %get3A_15, %dot_general3A {dimension_numbers = #tpu.dot_dimension_numbers<[1], [0], [0], [1], [0, 0, 1, 1], [], []>, transpose_lhs_hint = false} : vector<1024x128xf32>, vector<128x256xf32>, vector<1024x256xf32> -> vector<1024x256xf32>
    %get3A_17 = arith.constant 0 : index
    %get3A_18 = arith.constant 0 : index
    %get3A_19 = vector.load %arg6[%get3A_17, %get3A_18] : memref<1x256xf32, #tpu.memory_space<vmem>>, vector<1x256xf32>
    %add3A_20 = vector.broadcast %get3A_19 : vector<1x256xf32> to vector<1024x256xf32>
    %add3A_21 = arith.addf %dot_general3A_16, %add3A_20 : vector<1024x256xf32>
    %max3A = arith.constant 0.000000e+00 : f32
    %max3A_22 = vector.broadcast %max3A : f32 to vector<1024x256xf32>
    %max3A_23 = arith.maximumf %add3A_21, %max3A_22 : vector<1024x256xf32>
    %get3A_24 = arith.constant 0 : index
    %get3A_25 = arith.constant 0 : index
    %get3A_26 = vector.load %arg7[%get3A_24, %get3A_25] : memref<256x48xf32, #tpu.memory_space<vmem>>, vector<256x48xf32>
    %dot_general3A_27 = arith.constant dense<0.000000e+00> : vector<1024x48xf32>
    %dot_general3A_28 = tpu.matmul %max3A_23, %get3A_26, %dot_general3A_27 {dimension_numbers = #tpu.dot_dimension_numbers<[1], [0], [0], [1], [0, 0, 1, 1], [], []>, transpose_lhs_hint = false} : vector<1024x256xf32>, vector<256x48xf32>, vector<1024x48xf32> -> vector<1024x48xf32>
    %get3A_29 = arith.constant 0 : index
    %get3A_30 = arith.constant 0 : index
    %get3A_31 = vector.load %arg4[%get3A_29, %get3A_30] : memref<1024x1xf32, #tpu.memory_space<vmem>>, vector<1024x1xf32>
    %mul3A_32 = vector.broadcast %get3A_31 : vector<1024x1xf32> to vector<1024x48xf32>
    %mul3A_33 = arith.mulf %dot_general3A_28, %mul3A_32 : vector<1024x48xf32>
    %swap3A = arith.constant 0 : index
    %swap3A_34 = arith.constant 0 : index
    %swap3A_35 = vector.load %arg8[%swap3A, %swap3A_34] : memref<1024x48xf32, #tpu.memory_space<vmem>>, vector<1024x48xf32>
    tpu.vector_store %arg8[%swap3A, %swap3A_34], %mul3A_33 {strides = array<i32>} : memref<1024x48xf32, #tpu.memory_space<vmem>>, vector<1024x48xf32>,
    return
  }
  func.func @transform_0(%arg0: i32) -> (i32, i32) {
    %c0_i32 = arith.constant 0 : i32
    %c0_i32_0 = arith.constant 0 : i32
    return %arg0, %c0_i32 : i32, i32
  }
  func.func @transform_1(%arg0: i32) -> (i32, i32) {
    %add3A = arith.constant 10 : i32
    %add3A_0 = arith.addi %arg0, %add3A : i32
    %c0_i32 = arith.constant 0 : i32
    %c0_i32_1 = arith.constant 0 : i32
    return %add3A_0, %c0_i32 : i32, i32
  }
  func.func @transform_2(%arg0: i32) -> (i32, i32) {
    %c0_i32 = arith.constant 0 : i32
    %c0_i32_0 = arith.constant 0 : i32
    return %arg0, %c0_i32 : i32, i32
  }
  func.func @transform_3(%arg0: i32) -> (i32, i32) {
    %c0_i32 = arith.constant 0 : i32
    %c0_i32_0 = arith.constant 0 : i32
    return %arg0, %c0_i32 : i32, i32
  }
  func.func @transform_4(%arg0: i32) -> (i32, i32) {
    %c0_i32 = arith.constant 0 : i32
    %c0_i32_0 = arith.constant 0 : i32
    %c0_i32_1 = arith.constant 0 : i32
    return %c0_i32, %c0_i32_0 : i32, i32
  }
  func.func @transform_5(%arg0: i32) -> (i32, i32) {
    %c0_i32 = arith.constant 0 : i32
    %c0_i32_0 = arith.constant 0 : i32
    %c0_i32_1 = arith.constant 0 : i32
    return %c0_i32, %c0_i32_0 : i32, i32
  }
  func.func @transform_6(%arg0: i32) -> (i32, i32) {
    %c0_i32 = arith.constant 0 : i32
    %c0_i32_0 = arith.constant 0 : i32
    %c0_i32_1 = arith.constant 0 : i32
    return %c0_i32, %c0_i32_0 : i32, i32
  }
  func.func @transform_7(%arg0: i32) -> (i32, i32) {
    %c0_i32 = arith.constant 0 : i32
    %c0_i32_0 = arith.constant 0 : i32
    return %arg0, %c0_i32 : i32, i32
  }
}

module attributes {stable_mosaic.version = 14 : i64} {
  func.func @_loss_body(%arg0: i32, %arg1: memref<1000x48xf32, #tpu.memory_space<vmem>>, %arg2: memref<1000x48xf32, #tpu.memory_space<vmem>>, %arg3: memref<1000x48xf32, #tpu.memory_space<vmem>>, %arg4: memref<1000x1xf32, #tpu.memory_space<vmem>>, %arg5: memref<1x48xf32, #tpu.memory_space<vmem>>, %arg6: memref<1000x1xi32, #tpu.memory_space<vmem>>, %arg7: memref<1x1xf32, #tpu.memory_space<vmem>>) attributes {dimension_semantics = [#tpu.dimension_semantics<arbitrary>], iteration_bounds = array<i64: 10>, scalar_prefetch = 0 : i64, scratch_operands = 0 : i64, tpu.core_type = #tpu.core_type<tc>, window_params = [{transform_indices = @transform_0, window_bounds = array<i64: 1000, 48>}, {transform_indices = @transform_1, window_bounds = array<i64: 1000, 48>}, {transform_indices = @transform_2, window_bounds = array<i64: 1000, 48>}, {transform_indices = @transform_3, window_bounds = array<i64: 1000, 1>}, {pipeline_mode = #tpu.pipeline_mode<synchronous>, transform_indices = @transform_4, window_bounds = array<i64: 1, 48>}, {transform_indices = @transform_5, window_bounds = array<i64: 1000, 1>}, {pipeline_mode = #tpu.pipeline_mode<synchronous>, transform_indices = @transform_6, window_bounds = array<i64: 1, 1>}]} {
    %get3A = arith.constant 0 : index
    %get3A_0 = arith.constant 0 : index
    %get3A_1 = vector.load %arg1[%get3A, %get3A_0] : memref<1000x48xf32, #tpu.memory_space<vmem>>, vector<1000x48xf32>
    %get3A_2 = arith.constant 0 : index
    %get3A_3 = arith.constant 0 : index
    %get3A_4 = vector.load %arg2[%get3A_2, %get3A_3] : memref<1000x48xf32, #tpu.memory_space<vmem>>, vector<1000x48xf32>
    %add3A = arith.addf %get3A_1, %get3A_4 : vector<1000x48xf32>
    %get3A_5 = arith.constant 0 : index
    %get3A_6 = arith.constant 0 : index
    %get3A_7 = vector.load %arg3[%get3A_5, %get3A_6] : memref<1000x48xf32, #tpu.memory_space<vmem>>, vector<1000x48xf32>
    %add3A_8 = arith.addf %add3A, %get3A_7 : vector<1000x48xf32>
    %get3A_9 = arith.constant 0 : index
    %get3A_10 = arith.constant 0 : index
    %get3A_11 = vector.load %arg4[%get3A_9, %get3A_10] : memref<1000x1xf32, #tpu.memory_space<vmem>>, vector<1000x1xf32>
    %mul3A = vector.broadcast %get3A_11 : vector<1000x1xf32> to vector<1000x48xf32>
    %mul3A_12 = arith.mulf %add3A_8, %mul3A : vector<1000x48xf32>
    %get3A_13 = arith.constant 0 : index
    %get3A_14 = arith.constant 0 : index
    %get3A_15 = vector.load %arg5[%get3A_13, %get3A_14] : memref<1x48xf32, #tpu.memory_space<vmem>>, vector<1x48xf32>
    %add3A_16 = vector.broadcast %get3A_15 : vector<1x48xf32> to vector<1000x48xf32>
    %add3A_17 = arith.addf %mul3A_12, %add3A_16 : vector<1000x48xf32>
    %iota3A = tpu.iota {dimensions = array<i32: 1>} : vector<1000x48xi32>
    %lt3A = arith.constant 40 : i32
    %lt3A_18 = vector.broadcast %lt3A : i32 to vector<1000x48xi32>
    %lt3A_19 = arith.cmpi slt, %iota3A, %lt3A_18 : vector<1000x48xi32>
    %jit3A = arith.constant -1.000000e+30 : f32
    %broadcast_in_dim3A = vector.broadcast %jit3A : f32 to vector<1000x48xf32>
    %select_n3A = arith.select %lt3A_19, %add3A_17, %broadcast_in_dim3A : vector<1000x48xi1>, vector<1000x48xf32>
    %reduce_max3A = arith.constant dense<0xFF800000> : vector<1000xf32>
    %reduce_max3A_20 = vector.multi_reduction <maximumf>, %select_n3A, %reduce_max3A [1] : vector<1000x48xf32> to vector<1000xf32>
    %broadcast_in_dim3A_21 = vector.shape_cast %reduce_max3A_20 : vector<1000xf32> to vector<1000x1xf32>
    %sub3A = vector.broadcast %broadcast_in_dim3A_21 : vector<1000x1xf32> to vector<1000x48xf32>
    %sub3A_22 = arith.subf %select_n3A, %sub3A : vector<1000x48xf32>
    %exp3A = math.exp %sub3A_22 : vector<1000x48xf32>
    %reduce_sum3A = arith.constant dense<0.000000e+00> : vector<1000xf32>
    %reduce_sum3A_23 = vector.multi_reduction <add>, %exp3A, %reduce_sum3A [1] : vector<1000x48xf32> to vector<1000xf32>
    %broadcast_in_dim3A_24 = vector.shape_cast %reduce_sum3A_23 : vector<1000xf32> to vector<1000x1xf32>
    %log3A = math.log %broadcast_in_dim3A_24 : vector<1000x1xf32>
    %add3A_25 = arith.addf %log3A, %broadcast_in_dim3A_21 : vector<1000x1xf32>
    %get3A_26 = arith.constant 0 : index
    %get3A_27 = arith.constant 0 : index
    %get3A_28 = vector.load %arg6[%get3A_26, %get3A_27] : memref<1000x1xi32, #tpu.memory_space<vmem>>, vector<1000x1xi32>
    %eq3A = vector.broadcast %get3A_28 : vector<1000x1xi32> to vector<1000x48xi32>
    %eq3A_29 = arith.cmpi eq, %iota3A, %eq3A : vector<1000x48xi32>
    %sub3A_30 = vector.broadcast %add3A_25 : vector<1000x1xf32> to vector<1000x48xf32>
    %sub3A_31 = arith.subf %select_n3A, %sub3A_30 : vector<1000x48xf32>
    %jit3A_32 = arith.constant 0.000000e+00 : f32
    %broadcast_in_dim3A_33 = vector.broadcast %jit3A_32 : f32 to vector<1000x48xf32>
    %select_n3A_34 = arith.select %eq3A_29, %sub3A_31, %broadcast_in_dim3A_33 : vector<1000x48xi1>, vector<1000x48xf32>
    %reduce_sum3A_35 = arith.constant dense<0.000000e+00> : vector<1000xf32>
    %reduce_sum3A_36 = vector.multi_reduction <add>, %select_n3A_34, %reduce_sum3A_35 [1] : vector<1000x48xf32> to vector<1000xf32>
    %reduce_sum3A_37 = vector.shape_cast %reduce_sum3A_36 : vector<1000xf32> to vector<1x1000xf32>
    %reduce_sum3A_38 = arith.constant dense<0.000000e+00> : vector<1xf32>
    %reduce_sum3A_39 = vector.multi_reduction <add>, %reduce_sum3A_37, %reduce_sum3A_38 [1] : vector<1x1000xf32> to vector<1xf32>
    %reduce_sum3A_40 = vector.shape_cast %reduce_sum3A_39 : vector<1xf32> to vector<1x1xf32>
    %reduce_sum3A_41 = vector.extract %reduce_sum3A_40[0, 0] : f32 from vector<1x1xf32>
    %mul3A_42 = arith.constant -9.99999974E-5 : f32
    %mul3A_43 = arith.mulf %reduce_sum3A_41, %mul3A_42 : f32
    %eq3A_44 = arith.constant 0 : i32
    %eq3A_45 = arith.cmpi eq, %arg0, %eq3A_44 : i32
    %convert_element_type3A = arith.extui %eq3A_45 : i1 to i32
    %cond3A = arith.constant 0 : i32
    %cond3A_46 = arith.cmpi ne, %convert_element_type3A, %cond3A : i32
    scf.if %cond3A_46 {
      %broadcast_in_dim3A_57 = arith.constant 0.000000e+00 : f32
      %broadcast_in_dim3A_58 = vector.broadcast %broadcast_in_dim3A_57 : f32 to vector<1x1xf32>
      %swap3A_59 = arith.constant 0 : index
      %swap3A_60 = arith.constant 0 : index
      %swap3A_61 = vector.load %arg7[%swap3A_59, %swap3A_60] : memref<1x1xf32, #tpu.memory_space<vmem>>, vector<1x1xf32>
      tpu.vector_store %arg7[%swap3A_59, %swap3A_60], %broadcast_in_dim3A_58 {strides = array<i32>} : memref<1x1xf32, #tpu.memory_space<vmem>>, vector<1x1xf32>,
    } else {
    }
    %get3A_47 = arith.constant 0 : index
    %get3A_48 = arith.constant 0 : index
    %get3A_49 = vector.load %arg7[%get3A_47, %get3A_48] : memref<1x1xf32, #tpu.memory_space<vmem>>, vector<1x1xf32>
    %broadcast_in_dim3A_50 = arith.constant 1.000000e+00 : f32
    %broadcast_in_dim3A_51 = vector.broadcast %broadcast_in_dim3A_50 : f32 to vector<1x1xf32>
    %mul3A_52 = vector.broadcast %mul3A_43 : f32 to vector<1x1xf32>
    %mul3A_53 = arith.mulf %broadcast_in_dim3A_51, %mul3A_52 : vector<1x1xf32>
    %add3A_54 = arith.addf %get3A_49, %mul3A_53 : vector<1x1xf32>
    %swap3A = arith.constant 0 : index
    %swap3A_55 = arith.constant 0 : index
    %swap3A_56 = vector.load %arg7[%swap3A, %swap3A_55] : memref<1x1xf32, #tpu.memory_space<vmem>>, vector<1x1xf32>
    tpu.vector_store %arg7[%swap3A, %swap3A_55], %add3A_54 {strides = array<i32>} : memref<1x1xf32, #tpu.memory_space<vmem>>, vector<1x1xf32>,
    return
  }
  func.func @transform_0(%arg0: i32) -> (i32, i32) {
    %c0_i32 = arith.constant 0 : i32
    %c0_i32_0 = arith.constant 0 : i32
    return %arg0, %c0_i32 : i32, i32
  }
  func.func @transform_1(%arg0: i32) -> (i32, i32) {
    %c0_i32 = arith.constant 0 : i32
    %c0_i32_0 = arith.constant 0 : i32
    return %arg0, %c0_i32 : i32, i32
  }
  func.func @transform_2(%arg0: i32) -> (i32, i32) {
    %c0_i32 = arith.constant 0 : i32
    %c0_i32_0 = arith.constant 0 : i32
    return %arg0, %c0_i32 : i32, i32
  }
  func.func @transform_3(%arg0: i32) -> (i32, i32) {
    %c0_i32 = arith.constant 0 : i32
    %c0_i32_0 = arith.constant 0 : i32
    return %arg0, %c0_i32 : i32, i32
  }
  func.func @transform_4(%arg0: i32) -> (i32, i32) {
    %c0_i32 = arith.constant 0 : i32
    %c0_i32_0 = arith.constant 0 : i32
    %c0_i32_1 = arith.constant 0 : i32
    return %c0_i32, %c0_i32_0 : i32, i32
  }
  func.func @transform_5(%arg0: i32) -> (i32, i32) {
    %c0_i32 = arith.constant 0 : i32
    %c0_i32_0 = arith.constant 0 : i32
    return %arg0, %c0_i32 : i32, i32
  }
  func.func @transform_6(%arg0: i32) -> (i32, i32) {
    %c0_i32 = arith.constant 0 : i32
    %c0_i32_0 = arith.constant 0 : i32
    %c0_i32_1 = arith.constant 0 : i32
    return %c0_i32, %c0_i32_0 : i32, i32
  }
}

</mosaic_0001>

<sc_bundles>
// kernel: kernel.11.cloned.1.call-start
scs
__scs_entry_jumppad:
0x0: {  	(pc) =	sbr.rel $0x88, $3  }
0x1: {  	(tag) =	ssettag $0x0;
	lr =	simm.s32 $0x1  }
0x2: {  	[smem:$0x3F9A] =	sst lr;
	_ =	strace $0xD0000000  }
0x3: {  	_ = 	snop  }
0x4: {  	_ = 	snop  }
0x5: {  	_ = 	snop  }
0x6: {  	_ = 	snop  }
0x7: {  	_ = 	snop  }
__scs_overlays_trampoline_lowered:
0x8: {  	[smem:$0x3FA9] =	sst s0  }
0x9: {  	[smem:$0x3FAA] =	sst s1  }
0xa: {  	[smem:$0x3FAB] =	sst s2  }
0xb: {  	[smem:$0x3FAC] =	sst s3  }
0xc: {  	[smem:$0x3FAD] =	sst s4  }
0xd: {  	[smem:$0x3FAE] =	sst s5  }
0xe: {  	[smem:$0x3FAF] =	sst s6  }
0xf: {  	[smem:$0x3FB0] =	sst s7  }
0x10: {  	[smem:$0x3FB1] =	sst s8  }
0x11: {  	[smem:$0x3FB2] =	sst s9;
	s0 =	simm.s32 @!p0 $0x0  }
0x12: {  	s1 =	sld [smem:$0x3F98];
	s0 =	simm.s32 @p0 $0x1  }
0x13: {  	[smem:$0x3FB3] =	sst s0;
	s0 =	simm.s32 @!p1 $0x0  }
0x14: {  	s2 =	sld [smem:$0x3F97];
	s0 =	simm.s32 @p1 $0x1  }
0x15: {  	[smem:$0x3FB4] =	sst s0;
	s0 =	simm.s32 @!p2 $0x0  }
0x16: {  	s3 =	sld [smem:$0x3FDB];
	s0 =	simm.s32 @p2 $0x1  }
0x17: {  	s4 =	simm.s32 $0x1BF5;
	[smem:$0x3FB6] =	sst s0  }
0x18: {  	s0 =	sld [smem:$0x3F99];
	_ =	swait.ge [sflag:s4], $0x0  }
0x19: {  	s7 =	sld [smem:$0x3F9A]  }
0x1a: {  	s8 =	sadd.s32 $0xFFFFE003, lr  }
0x1b: {  	s9 =	sadd.s32 $0xFFFFFEF7, lr;
	s5 =	simm.s32 $0xFFFFFFFF;
	p2 =	slt.u32 s8, $0xFFFFF086  }
0x1c: {  	p1 =	slt.u32 s9, $0xF7A;
	s5 =	simm.s32 @!p2 $0x0  }
0x1d: {  	s5 =	simm.s32 @p1 $0x1;
	p0 =	seq.s32 s7, s2  }
0x1e: {  	s7 =	smul.u32 @!p0 $0xF7A, s2;
	p2 =	seq.s32 @!p0 s5, $0x0  }
0x1f: {  	s9 =	smul.u32 $0xF7A, s1;
	s8 =	simm.s32 @!p0 $0x1BF5;
	p2 =	por !p2, p0  }
0x20: {  	[sflag:s8] =	ssyncset.s32 @!p0 $0xFFFFF086;
	s6 =	sadd.s32 @!p0 s3, s7;
	s7 =	simm.s32 @!p0 $0x108  }
0x21: {  	s3 =	sadd.s32 s3, s9;
	s6 =	sadd.s32 @!p0 $0x88, s6;
	s7 =	simm.s32 @p2 $0x1082  }
0x22: {  	[simem:s7], [sflag:s8] =	dma.local @!p0 [hbm:s6], $0xF7A  }
0x23: {  	s9 =	sor.u32 $0xD0000000, s2;
	s6 =	simm.s32 $0x108;
	_ =	swait.ge @!p0 [sflag:s8], $0x0  }
0x24: {  	s3 =	sadd.s32 $0x88, s3;
	s6 =	simm.s32 @!p1 $0x1082;
	[sflag:s4] =	ssyncset.s32 $0xFFFFF086  }
0x25: {  	[simem:s6], [sflag:s4] =	dma.local [hbm:s3], $0xF7A  }
0x26: {  	[smem:$0x3F9A] =	sst s1;
	(tag) =	ssettag s2;
	_ =	strace s9  }
0x27: {  	s1 =	sld [smem:$0x3FAA]  }
0x28: {  	s2 =	sld [smem:$0x3FAB]  }
0x29: {  	s4 =	sld [smem:$0x3FAD]  }
0x2a: {  	p0 =	seq.s32 s5, $0x0;
	s5 =	sld [smem:$0x3FAE]  }
0x2b: {  	s6 =	sld [smem:$0x3FAF]  }
0x2c: {  	s7 =	sld [smem:$0x3FB0]  }
0x2d: {  	s3 =	simm.s32 $0x108;
	s8 =	sld [smem:$0x3FB1]  }
0x2e: {  	s3 =	simm.s32 @!p0 $0x1082;
	s9 =	sld [smem:$0x3FB2]  }
0x2f: {  	lr =	sadd.s32 s0, s3;
	s0 =	sld [smem:$0x3FA9]  }
0x30: {  	s3 =	sld [smem:$0x3FAC]  }
0x31: {  	[smem:$0x3FB5] =	sst s10  }
0x32: {  	s10 =	sld [smem:$0x3FB3];
	_ =	sdelay $0x3  }
0x33: {  	p0 =	seq.s32 s10, $0x1;
	s10 =	sld [smem:$0x3FB5];
	_ =	sdelay $0x3  }
0x34: {  	[smem:$0x3FB5] =	sst s10  }
0x35: {  	s10 =	sld [smem:$0x3FB4];
	_ =	sdelay $0x3  }
0x36: {  	p1 =	seq.s32 s10, $0x1;
	s10 =	sld [smem:$0x3FB5];
	_ =	sdelay $0x3  }
0x37: {  	[smem:$0x3FB5] =	sst s10  }
0x38: {  	s10 =	sld [smem:$0x3FB6]  }
0x39: {  	_ = 	snop;
	(pc) =	sbr.ind lr, $3  }
0x3a: {  	_ = 	snop  }
0x3b: {  	_ = 	snop  }
0x3c: {  	p2 =	seq.s32 s10, $0x1;
	s10 =	sld [smem:$0x3FB5]  }
0x3d: {  	_ =	shalt  }
0x3e: {  	_ =	shalt  }
0x3f: {  	_ =	shalt  }
0x40: {  	_ =	shalt  }
0x41: {  	_ =	shalt  }
0x42: {  	_ =	shalt  }
0x43: {  	_ =	shalt  }
0x44: {  	_ =	shalt  }
0x45: {  	_ =	shalt  }
0x46: {  	_ =	shalt  }
0x47: {  	_ =	shalt  }
0x48: {  	_ =	shalt  }
0x49: {  	_ =	shalt  }
0x4a: {  	_ =	shalt  }
0x4b: {  	_ =	shalt  }
0x4c: {  	_ =	shalt  }
0x4d: {  	_ =	shalt  }
0x4e: {  	_ =	shalt  }
0x4f: {  	_ =	shalt  }
0x50: {  	_ =	shalt  }
0x51: {  	_ =	shalt  }
0x52: {  	_ =	shalt  }
0x53: {  	_ =	shalt  }
0x54: {  	_ =	shalt  }
0x55: {  	_ =	shalt  }
0x56: {  	_ =	shalt  }
0x57: {  	_ =	shalt  }
0x58: {  	_ =	shalt  }
0x59: {  	_ =	shalt  }
0x5a: {  	_ =	shalt  }
0x5b: {  	_ =	shalt  }
0x5c: {  	_ =	shalt  }
0x5d: {  	_ =	shalt  }
0x5e: {  	_ =	shalt  }
0x5f: {  	_ =	shalt  }
0x60: {  	_ =	shalt  }
0x61: {  	_ =	shalt  }
0x62: {  	_ =	shalt  }
0x63: {  	_ =	shalt  }
0x64: {  	_ =	shalt  }
0x65: {  	_ =	shalt  }
0x66: {  	_ =	shalt  }
0x67: {  	_ =	shalt  }
0x68: {  	_ =	shalt  }
0x69: {  	_ =	shalt  }
0x6a: {  	_ =	shalt  }
0x6b: {  	_ =	shalt  }
0x6c: {  	_ =	shalt  }
0x6d: {  	_ =	shalt  }
0x6e: {  	_ =	shalt  }
0x6f: {  	_ =	shalt  }
0x70: {  	_ =	shalt  }
0x71: {  	_ =	shalt  }
0x72: {  	_ =	shalt  }
0x73: {  	_ =	shalt  }
0x74: {  	_ =	shalt  }
0x75: {  	_ =	shalt  }
0x76: {  	_ =	shalt  }
0x77: {  	_ =	shalt  }
0x78: {  	_ =	shalt  }
0x79: {  	_ =	shalt  }
0x7a: {  	_ =	shalt  }
0x7b: {  	_ =	shalt  }
0x7c: {  	_ =	shalt  }
0x7d: {  	_ =	shalt  }
0x7e: {  	_ =	shalt  }
0x7f: {  	_ =	shalt  }
0x80: {  	_ =	shalt  }
0x81: {  	_ =	shalt  }
0x82: {  	_ =	shalt  }
0x83: {  	_ =	shalt  }
0x84: {  	_ =	shalt  }
0x85: {  	_ =	shalt  }
0x86: {  	_ =	shalt  }
0x87: {  	_ =	shalt  }
.Lfunc_end0:
.L_simem_size_0:
called_computation.1_lowered:
.L_overlay_start_0:
0x88: {  	s2 =	sld [smem:$0x3FD9]  }
0x89: {  	s3 =	sld [smem:$0x3FFE];
	_ =	sdelay $0x1  }
0x8a: {  	s1 =	srdreg.scid  }
0x8b: {  	s0 =	sand.u32 $0x1, s1  }
0x8c: {  	s16 =	sshll.u32 s0, $0xA;
	s2 =	sadd.s32 s3, s2  }
0x8d: {  	s2 =	sadd.s32 s2, s16  }
0x8e: {  	[smem:$0x3FC1] =	sst s2  }
0x8f: {  	_ = 	snop  }
0x90: {  	(tm) =	ssettm $0x1  }
0x91: {  	s17 =	sld [smem:$0x3FFB];
	_ =	sdelay $0x3  }
0x92: {  	_ =	strace s17  }
0x93: {  	s2 =	sld [smem:$0x3FFC];
	_ =	sdelay $0x3  }
0x94: {  	_ =	strace s2  }
0x95: {  	s2 =	sld [smem:$0x3FFD];
	_ =	sdelay $0x3  }
0x96: {  	_ =	strace s2  }
0x97: {  	_ =	strace $0x8FFFFFFF  }
0x98: {  	s18 =	sld [smem:$0x3FDB];
	_ =	sdelay $0x1  }
0x99: {  	s19 =	simm.s32 $_scs_section_size  }
0x9a: {  	s4 =	simm.s32 $_size__tile_overlayer_lowered;
	s5 =	simm.s32 $_tile_overlayer_lowered  }
0x9b: {  	s22 =	simm.s32 $0x1BFF;
	s21 =	sshll.u32 s5, $0x1;
	s2 =	sadd.s32 s19, s18  }
0x9c: {  	s6 =	simm.s32 $0x0;
	s20 =	sshll.u32 s4, $0x1;
	s4 =	sadd.s32 s21, s2  }
0x9d: {  	[timem:s6], [sflag:s22] =	dma.local [hbm:s4], s20  }
0x9e: {  	_ =	swait.ge [sflag:s22], s20  }
0x9f: {  	s3 =	ssub.s32 $0x0, s20;
	[sflag:s22] =	ssyncset.done $0x0  }
0xa0: {  	[sflag:s22] =	ssyncadd.s32 s3;
	_ =	sdelay $0x1  }
0xa1: {  	s23 =	simm.s32 $0x1B8B  }
0xa2: {  	_ =	swait.ge [sflag:s23], $0x1  }
0xa3: {  	[sflag:s23] =	ssyncset.done $0x0  }
0xa4: {  	s25 =	simm.s32 $0x1B8E;
	s24 =	sld [smem:$0x3FFE];
	[sflag:s23] =	ssyncadd.s32 $0xFFFFFFFF  }
0xa5: {  	s26 =	simm.s32 $execute0_lowered;
	[smem:$0x3FD2] =	sst s25  }
0xa6: {  	s4 =	sshll.u32 s26, $0x1;
	_ =	strace $0x80000049;
	[dreg:$0x1] =	wrdreg $0xFFFFFFFF  }
0xa7: {  	s28 =	simm.s32 $_size_execute0_lowered;
	s2 =	sadd.s32 s2, s4;
	[dreg:$0x0] =	wrdreg $0x0  }
0xa8: {  	s4 =	sshll.u32 s28, $0x1;
	[dreg:$0x2] =	wrdreg s2  }
0xa9: {  	[dreg:$0x3] =	wrdreg s4  }
0xaa: {  	[dreg:$0x4] =	wrdreg $0xC0  }
0xab: {  	_ =	task [dreg:s6], $0x5FFFF  }
0xac: {  	[dreg:$0x1] =	wrdreg $0xFFFFFFFF  }
0xad: {  	[dreg:$0x0] =	wrdreg $0x60  }
0xae: {  	[dreg:$0x2] =	wrdreg s24  }
0xaf: {  	[dreg:$0x3] =	wrdreg $0x41000  }
0xb0: {  	[dreg:$0x4] =	wrdreg $0x9  }
0xb1: {  	_ =	task.clear_ibuf [dreg:s6], $0x5FFFF;
	_ =	strace $0x90000049  }
0xb2: {  	s29 =	simm.s32 $0x9;
	_ =	strace $0x8000004B  }
0xb3: {  	_ =	swait.ge [sflag:s29], $0x1  }
0xb4: {  	[sflag:s29] =	ssyncadd.s32 $0xFFFFFFFF  }
0xb5: {  	_ =	strace $0x9000004B  }
0xb6: {  	_ =	sfence  }
0xb7: {  	s30 =	sld [smem:$0x0];
	_ =	sdelay $0x2  }
0xb8: {  	s31 =	sshll.u32 s1, $0xD;
	s1 =	sshrl.u32 s1, $0x2  }
0xb9: {  	s3 =	sand.u32 $0x4000, s31;
	s1 =	sadd.s32 s1, s30  }
0xba: {  	s0 =	sor.u32 s3, s0;
	s1 =	sshll.u32 s1, $0x11  }
0xbb: {  	s0 =	sor.u32 s1, s0  }
0xbc: {  	s0 =	sadd.s32 $0x8F2B, s0  }
0xbd: {  	[sflag:s0] =	ssyncadd.remote.s32 $0x1  }
0xbe: {  	_ =	sfence.sel $0xFFFF  }
0xbf: {  	[dreg:$0x0] =	wrdreg $0xFFFFFFFF;
	(pc) =	sbr.abs _section_cstart, $3  }
0xc0: {  	[dreg:$0x1] =	wrdreg $0xFFFFFFFF  }
0xc1: {  	_ =	task.clear_ibuf [dreg:s6], $0x2FFFF;
	_ =	strace $0x9FFFFFFF  }
0xc2: {  	(tm) =	ssettm $0x7FFFFFFF  }
0xc3: {  	_ =	shalt  }
tec
execute0_lowered:
.L_overlay_start_1:
0x0: {  	(tag) =	ssettag $0x1  }
0x1: {  	s0 =	rddreg [dreg:$0x0]  }
0x2: {  	s2 =	rddreg [dreg:$0x1];
	s3 =	simm.s32 $0x0;
	s11 =	stileid.u32  }
0x3: {  	s5 =	srdreg.scid;
	s28 =	simm.s32 $0x1;
	s1 =	smul.u32 $0xA00, s11  }
0x4: {  	s29 =	simm.s32 $0x0;
	[smem:$0x7FF] =	sst s3;
	s7 =	smul.u32 $0x50000, s11  }
0x5: {  	s4 =	sadd.s32 $0x16200, s0;
	s6 =	sadd.s32 $0x3E200, s0;
	s15 =	smul.u32 $0x280, s11  }
0x6: {  	s5 =	sand.u32 $0x1, s5;
	s10 =	smul.u32 $0x2800, s11;
	s11 =	sshll.u32 s11, $0x6  }
0x7: {  	_ =	strace $0x8000004A;
	s8 =	ssub.s32 $0x2, s5;
	s1 =	sadd.s32 s1, s0  }
0x8: {  	s0 =	sadd.s32 $0x66200, s0;
	s9 =	sshrl.u32 s8, $0x1;
	s7 =	sshrl.u32 s7, $0x2  }
0x9: {  	s12 =	sadd.s32 s6, s10;
	s16 =	sadd.s32 $0x80, s15;
	s18 =	sadd.s32 $0x100, s15  }
0xa: {  	s8 =	ssub.s32 s8, s9;
	s7 =	sadd.s32 s7, s2;
	[dreg:$0x4] =	wrdreg s12  }
0xb: {  	s13 =	sshll.u32 s16, $0x7;
	s14 =	sshll.u32 s16, $0x4;
	s19 =	sshll.u32 s18, $0x7  }
0xc: {  	s21 =	sshll.u32 s18, $0x4;
	[dreg:$0x3] =	wrdreg s7;
	s9 =	sadd.s32 s13, s2  }
0xd: {  	s7 =	sor.u32 $0x1C02, s11;
	s17 =	sadd.s32 s6, s14;
	[dreg:$0x5] =	wrdreg s9  }
0xe: {  	s20 =	sadd.s32 s19, s2;
	s19 =	sadd.s32 $0x180, s15;
	[dreg:$0x6] =	wrdreg s17  }
0xf: {  	s22 =	sadd.s32 s6, s21;
	s21 =	smul.u32 $0x2800, s5;
	[dreg:$0x7] =	wrdreg s20  }
0x10: {  	s5 =	smul.u32 $0x500, s5;
	[dreg:$0x8] =	wrdreg s22;
	s20 =	sadd.s32 $0x200, s15  }
0x11: {  	s12 =	sshll.u32 s19, $0x7;
	s13 =	sshll.u32 s19, $0x4;
	s14 =	sshll.u32 s20, $0x4  }
0x12: {  	s12 =	sadd.s32 s12, s2;
	s13 =	sadd.s32 s6, s13;
	s23 =	sshll.u32 s20, $0x7  }
0x13: {  	s17 =	sadd.s32 s15, s21;
	s16 =	sadd.s32 s21, s16;
	s26 =	sadd.s32 s21, s18  }
0x14: {  	s19 =	sadd.s32 s21, s19;
	s20 =	sadd.s32 s21, s20;
	s1 =	sadd.s32 s5, s1  }
0x15: {  	s21 =	smax.u32 s8, $0x1;
	s14 =	sadd.s32 s6, s14;
	s15 =	sadd.s32 s23, s2  }
0x16: {  	s24 =	sshll.u32 s17, $0x4;
	s25 =	sshll.u32 s16, $0x4;
	s6 =	sshll.u32 s26, $0x4  }
0x17: {  	s30 =	sshll.u32 s19, $0x4;
	s31 =	sshll.u32 s20, $0x4;
	s22 =	sadd.s32 $0xC200, s1  }
0x18: {  	s23 =	sadd.s32 $0x2200, s1;
	s26 =	simm.s32 $0x100;
	s16 =	sadd.s32 s0, s24  }
0x19: {  	s17 =	sadd.s32 s0, s25;
	s18 =	sadd.s32 s0, s6;
	s19 =	sadd.s32 s0, s30  }
0x1a: {  	s20 =	sadd.s32 s0, s31;
	s24 =	simm.s32 $0x2;
	s25 =	simm.s32 $0x80  }
.LBB2_1:
0x1b: {  	s0 =	rddreg [dreg:$0x3]  }
0x1c: {  	s6 =	rddreg [dreg:$0x4];
	s30 =	sshrl.u32 s0, $0x3  }
0x1d: {  	[spmem:s30], [sflag:s7] =	dma.local [hbm:s6], $0x800  }
0x1e: {  	_ =	swait.ge [sflag:s24], $0x800  }
0x1f: {  	[sflag:s24] =	ssyncset.done $0x0;
	s8 =	rddreg [dreg:$0x5]  }
0x20: {  	s9 =	rddreg [dreg:$0x6];
	[sflag:s24] =	ssyncadd.s32 $0xFFFFF800;
	s31 =	sshrl.u32 s8, $0x3  }
0x21: {  	[spmem:s31], [sflag:s7] =	dma.local [hbm:s9], $0x800  }
0x22: {  	_ =	swait.ge [sflag:s24], $0x800  }
0x23: {  	[sflag:s24] =	ssyncset.done $0x0;
	s10 =	rddreg [dreg:$0x7]  }
0x24: {  	s1 =	rddreg [dreg:$0x8];
	[sflag:s24] =	ssyncadd.s32 $0xFFFFF800;
	s0 =	sshrl.u32 s10, $0x3  }
0x25: {  	[spmem:s0], [sflag:s7] =	dma.local [hbm:s1], $0x800  }
0x26: {  	_ =	swait.ge [sflag:s24], $0x800  }
0x27: {  	[sflag:s24] =	ssyncset.done $0x0  }
0x28: {  	s1 =	sshrl.u32 s12, $0x3;
	[sflag:s24] =	ssyncadd.s32 $0xFFFFF800  }
0x29: {  	[spmem:s1], [sflag:s7] =	dma.local [hbm:s13], $0x800  }
0x2a: {  	_ =	swait.ge [sflag:s24], $0x800  }
0x2b: {  	[sflag:s24] =	ssyncset.done $0x0  }
0x2c: {  	s5 =	sshrl.u32 s15, $0x3;
	[sflag:s24] =	ssyncadd.s32 $0xFFFFF800  }
0x2d: {  	[spmem:s5], [sflag:s7] =	dma.local [hbm:s14], $0x800  }
0x2e: {  	_ =	swait.ge [sflag:s24], $0x800  }
0x2f: {  	[sflag:s24] =	ssyncset.done $0x0  }
0x30: {  	[sflag:s24] =	ssyncadd.s32 $0xFFFFF800  }
0x31: {  	s6 =	sadd.s32 $0x0, s23;
	[bflag:$0x0] =	sbarrier.arrive $0xFFFF  }
0x32: {  	[tilespmem:s3], [sflag:$0x2] =	stream.linear.gather [hbm4b:s6+s3], $0x80, $0x38;
	[tilespmem:$0x18100] =	vst v63  }
0x33: {  	_ =	swait.ge [sflag:s24], $0x80  }
0x34: {  	[sflag:s24] =	ssyncset.done $0x0  }
0x35: {  	s11 =	sadd.s32 $0x0, s22;
	[sflag:s24] =	ssyncadd.s32 $0xFFFFFF80  }
0x36: {  	[tilespmem:s25], [sflag:$0x2] =	stream.linear.gather [hbm4b:s11+s3], $0x80, $0x38;
	[tilespmem:$0x18100] =	vst v63  }
0x37: {  	_ =	swait.ge [sflag:s24], $0x80  }
0x38: {  	[sflag:s24] =	ssyncset.done $0x0  }
0x39: {  	[sflag:s24] =	ssyncadd.s32 $0xFFFFFF80  }
0x3a: {  	[tilespmem:s26], [sflag:$0x1] =	stream.indirect.gather [hbm4b:s4+s25], $0x80, s3, s25, $0xb8;
	[tilespmem:$0x18100] =	vst v63  }
0x3b: {  	_ =	swait.ge [sflag:s28], $0x4000  }
0x3c: {  	[sflag:s28] =	ssyncset.done $0x0  }
0x3d: {  	[sflag:s28] =	ssyncadd.s32 $0xFFFFC000  }
0x3e: {  	[spmem:s2] =	stream.indirect.scatter.add.f32 [tilespmem:s26], [sflag:$0x2], $0x80, s25, s25, $0xb8;
	[tilespmem:$0x18100] =	vst v63  }
0x3f: {  	_ =	swait.ge [sflag:s24], $0x4000  }
0x40: {  	s8 =	simm.s32 $0x20;
	s6 =	simm.s32 $0x10;
	[sflag:s24] =	ssyncset.done $0x0  }
.LBB2_2:
0x41: {  	s9 =	sadd.s32 s6, s23  }
0x42: {  	[sflag:s24] =	ssyncadd.s32 $0xFFFFC000;
	s10 =	smov.u32 s8;
	s11 =	sadd.s32 $0x10, s8  }
0x43: {  	[tilespmem:s3], [sflag:$0x2] =	stream.linear.gather [hbm4b:s9+s3], $0x80, $0x38;
	[tilespmem:$0x18100] =	vst v63  }
0x44: {  	p0 =	sne.s32 s8, $0x4F0;
	_ =	swait.ge [sflag:s24], $0x80  }
0x45: {  	[sflag:s24] =	ssyncset.done $0x0  }
0x46: {  	s8 =	sadd.s32 s6, s22;
	s6 =	smov.u32 s10;
	[sflag:s24] =	ssyncadd.s32 $0xFFFFFF80  }
0x47: {  	[tilespmem:s25], [sflag:$0x2] =	stream.linear.gather [hbm4b:s8+s3], $0x80, $0x38;
	[tilespmem:$0x18100] =	vst v63  }
0x48: {  	_ =	swait.ge [sflag:s24], $0x80  }
0x49: {  	[sflag:s24] =	ssyncset.done $0x0  }
0x4a: {  	[sflag:s24] =	ssyncadd.s32 $0xFFFFFF80  }
0x4b: {  	[tilespmem:s26], [sflag:$0x1] =	stream.indirect.gather [hbm4b:s4+s25], $0x80, s3, s25, $0xb8;
	[tilespmem:$0x18100] =	vst v63  }
0x4c: {  	_ =	swait.ge [sflag:s28], $0x4000  }
.Ltmp0:
0x4d: {  	[sflag:s28] =	ssyncset.done $0x0;
	(pc) =	sbr.rel @p0 .LBB2_2-.Ltmp0, $4  }
0x4e: {  	[sflag:s28] =	ssyncadd.s32 $0xFFFFC000  }
0x4f: {  	[spmem:s2] =	stream.indirect.scatter.add.f32 [tilespmem:s26], [sflag:$0x2], $0x80, s25, s25, $0xb8;
	[tilespmem:$0x18100] =	vst v63  }
0x50: {  	_ =	swait.ge [sflag:s24], $0x4000  }
0x51: {  	s8 =	smov.u32 s11;
	[sflag:s24] =	ssyncset.done $0x0  }
0x52: {  	s8 =	sadd.s32 s6, s23;
	[sflag:s24] =	ssyncadd.s32 $0xFFFFC000  }
0x53: {  	[tilespmem:s3], [sflag:$0x2] =	stream.linear.gather [hbm4b:s8+s3], $0x80, $0x38;
	[tilespmem:$0x18100] =	vst v63  }
0x54: {  	_ =	swait.ge [sflag:s24], $0x80  }
0x55: {  	[sflag:s24] =	ssyncset.done $0x0  }
0x56: {  	s11 =	sadd.s32 s6, s22;
	[sflag:s24] =	ssyncadd.s32 $0xFFFFFF80  }
0x57: {  	[tilespmem:s25], [sflag:$0x2] =	stream.linear.gather [hbm4b:s11+s3], $0x80, $0x38;
	[tilespmem:$0x18100] =	vst v63  }
0x58: {  	_ =	swait.ge [sflag:s24], $0x80  }
0x59: {  	[sflag:s24] =	ssyncset.done $0x0  }
0x5a: {  	[sflag:s24] =	ssyncadd.s32 $0xFFFFFF80  }
0x5b: {  	[tilespmem:s26], [sflag:$0x1] =	stream.indirect.gather [hbm4b:s4+s25], $0x80, s3, s25, $0xb8;
	[tilespmem:$0x18100] =	vst v63  }
0x5c: {  	_ =	swait.ge [sflag:s28], $0x4000  }
0x5d: {  	[sflag:s28] =	ssyncset.done $0x0  }
0x5e: {  	[sflag:s28] =	ssyncadd.s32 $0xFFFFC000  }
0x5f: {  	[spmem:s2] =	stream.indirect.scatter.add.f32 [tilespmem:s26], [sflag:$0x2], $0x80, s25, s25, $0xb8;
	[tilespmem:$0x18100] =	vst v63  }
0x60: {  	_ =	swait.ge [sflag:s24], $0x4000  }
0x61: {  	[sflag:s24] =	ssyncset.done $0x0  }
0x62: {  	[sflag:s24] =	ssyncadd.s32 $0xFFFFC000  }
0x63: {  	[bflag:$0x0] =	sbarrier.arrive $0xFFFF  }
0x64: {  	[hbm:s16], [sflag:s7] =	dma.local [spmem:s30], $0x800  }
0x65: {  	_ =	swait.ge [sflag:s24], $0x800  }
0x66: {  	[sflag:s24] =	ssyncset.done $0x0  }
0x67: {  	[sflag:s24] =	ssyncadd.s32 $0xFFFFF800  }
0x68: {  	[hbm:s17], [sflag:s7] =	dma.local [spmem:s31], $0x800  }
0x69: {  	_ =	swait.ge [sflag:s24], $0x800  }
0x6a: {  	[sflag:s24] =	ssyncset.done $0x0  }
0x6b: {  	[sflag:s24] =	ssyncadd.s32 $0xFFFFF800  }
0x6c: {  	[hbm:s18], [sflag:s7] =	dma.local [spmem:s0], $0x800  }
0x6d: {  	_ =	swait.ge [sflag:s24], $0x800  }
0x6e: {  	[sflag:s24] =	ssyncset.done $0x0  }
0x6f: {  	[sflag:s24] =	ssyncadd.s32 $0xFFFFF800  }
0x70: {  	[hbm:s19], [sflag:s7] =	dma.local [spmem:s1], $0x800  }
0x71: {  	s29 =	sadd.s32 $0x1, s29;
	_ =	swait.ge [sflag:s24], $0x800  }
0x72: {  	p0 =	sne.s32 s29, s21;
	[sflag:s24] =	ssyncset.done $0x0  }
.Ltmp1:
0x73: {  	[sflag:s24] =	ssyncadd.s32 $0xFFFFF800;
	(pc) =	sbr.rel @p0 .LBB2_1-.Ltmp1, $4  }
0x74: {  	[hbm:s20], [sflag:s7] =	dma.local [spmem:s5], $0x800  }
0x75: {  	_ =	swait.ge [sflag:s24], $0x800  }
0x76: {  	[sflag:s24] =	ssyncset.done $0x0  }
0x77: {  	[sflag:s24] =	ssyncadd.s32 $0xFFFFF800  }
0x78: {  	_ =	sfence.sel $0x180000  }
0x79: {  	[bflag:$0x0] =	sbarrier.arrive $0xFFFF  }
0x7a: {  	_ =	strace $0x9000004A  }
0x7b: {  	s0 =	stileid.u32;
	[bflag:$0x2] =	sbarrier.arrive $0xFFFF  }
0x7c: {  	p0 =	sne.s32 s0, $0x0;
	s0 =	rddreg [dreg:$0x2]  }
0x7d: {  	s0 =	sadd.s32 @!p0 $0x100000, s0  }
0x7e: {  	[sflag:s0] =	ssyncadd.tile.s32 @!p0 $0x1;
	_ =	shalt  }
.Lfunc_end2:
_tile_overlayer_lowered:
.L_overlay_start_2:
0x7f: {  	(tag) =	ssettag $0x2  }
0x80: {  	s0 =	rddreg [dreg:$0x0];
	s2 =	stileid.u32  }
0x81: {  	s1 =	rddreg [dreg:$0x1];
	p0 =	sne.s32 s2, $0x0  }
0x82: {  	s3 =	rddreg [dreg:$0x2];
	[bflag:$0x3] =	sbarrier.arrive $0xFFFF;
	s2 =	simm.s32 @!p0 $0x1C02  }
0x83: {  	[timem:s3], [sflag:s2] =	dma.local @!p0 [hbm:s0], s1  }
0x84: {  	s0 =	simm.s32 @!p0 $0x2  }
0x85: {  	_ =	swait.ge @!p0 [sflag:s0], s1  }
0x86: {  	s1 =	ssub.s32 @!p0 $0x0, s1;
	[sflag:s0] =	ssyncset.done @!p0 $0x0  }
0x87: {  	[sflag:s0] =	ssyncadd.s32 @!p0 s1  }
0x88: {  	[bflag:$0x3] =	sbarrier.arrive $0xFFFF  }
0x89: {  	_ =	shalt  }

// kernel: kernel.14.cloned.1.call-start
scs
__scs_entry_jumppad:
0x0: {  	(pc) =	sbr.rel $0x88, $3  }
0x1: {  	(tag) =	ssettag $0x0;
	lr =	simm.s32 $0x1  }
0x2: {  	[smem:$0x3F9A] =	sst lr;
	_ =	strace $0xD0000000  }
0x3: {  	_ = 	snop  }
0x4: {  	_ = 	snop  }
0x5: {  	_ = 	snop  }
0x6: {  	_ = 	snop  }
0x7: {  	_ = 	snop  }
__scs_overlays_trampoline_lowered:
0x8: {  	[smem:$0x3FA9] =	sst s0  }
0x9: {  	[smem:$0x3FAA] =	sst s1  }
0xa: {  	[smem:$0x3FAB] =	sst s2  }
0xb: {  	[smem:$0x3FAC] =	sst s3  }
0xc: {  	[smem:$0x3FAD] =	sst s4  }
0xd: {  	[smem:$0x3FAE] =	sst s5  }
0xe: {  	[smem:$0x3FAF] =	sst s6  }
0xf: {  	[smem:$0x3FB0] =	sst s7  }
0x10: {  	[smem:$0x3FB1] =	sst s8  }
0x11: {  	[smem:$0x3FB2] =	sst s9;
	s0 =	simm.s32 @!p0 $0x0  }
0x12: {  	s1 =	sld [smem:$0x3F98];
	s0 =	simm.s32 @p0 $0x1  }
0x13: {  	[smem:$0x3FB3] =	sst s0;
	s0 =	simm.s32 @!p1 $0x0  }
0x14: {  	s2 =	sld [smem:$0x3F97];
	s0 =	simm.s32 @p1 $0x1  }
0x15: {  	[smem:$0x3FB4] =	sst s0;
	s0 =	simm.s32 @!p2 $0x0  }
0x16: {  	s3 =	sld [smem:$0x3FDB];
	s0 =	simm.s32 @p2 $0x1  }
0x17: {  	s4 =	simm.s32 $0x1BF5;
	[smem:$0x3FB6] =	sst s0  }
0x18: {  	s0 =	sld [smem:$0x3F99];
	_ =	swait.ge [sflag:s4], $0x0  }
0x19: {  	s7 =	sld [smem:$0x3F9A]  }
0x1a: {  	s8 =	sadd.s32 $0xFFFFE003, lr  }
0x1b: {  	s9 =	sadd.s32 $0xFFFFFEF7, lr;
	s5 =	simm.s32 $0xFFFFFFFF;
	p2 =	slt.u32 s8, $0xFFFFF086  }
0x1c: {  	p1 =	slt.u32 s9, $0xF7A;
	s5 =	simm.s32 @!p2 $0x0  }
0x1d: {  	s5 =	simm.s32 @p1 $0x1;
	p0 =	seq.s32 s7, s2  }
0x1e: {  	s7 =	smul.u32 @!p0 $0xF7A, s2;
	p2 =	seq.s32 @!p0 s5, $0x0  }
0x1f: {  	s9 =	smul.u32 $0xF7A, s1;
	s8 =	simm.s32 @!p0 $0x1BF5;
	p2 =	por !p2, p0  }
0x20: {  	[sflag:s8] =	ssyncset.s32 @!p0 $0xFFFFF086;
	s6 =	sadd.s32 @!p0 s3, s7;
	s7 =	simm.s32 @!p0 $0x108  }
0x21: {  	s3 =	sadd.s32 s3, s9;
	s6 =	sadd.s32 @!p0 $0x88, s6;
	s7 =	simm.s32 @p2 $0x1082  }
0x22: {  	[simem:s7], [sflag:s8] =	dma.local @!p0 [hbm:s6], $0xF7A  }
0x23: {  	s9 =	sor.u32 $0xD0000000, s2;
	s6 =	simm.s32 $0x108;
	_ =	swait.ge @!p0 [sflag:s8], $0x0  }
0x24: {  	s3 =	sadd.s32 $0x88, s3;
	s6 =	simm.s32 @!p1 $0x1082;
	[sflag:s4] =	ssyncset.s32 $0xFFFFF086  }
0x25: {  	[simem:s6], [sflag:s4] =	dma.local [hbm:s3], $0xF7A  }
0x26: {  	[smem:$0x3F9A] =	sst s1;
	(tag) =	ssettag s2;
	_ =	strace s9  }
0x27: {  	s1 =	sld [smem:$0x3FAA]  }
0x28: {  	s2 =	sld [smem:$0x3FAB]  }
0x29: {  	s4 =	sld [smem:$0x3FAD]  }
0x2a: {  	p0 =	seq.s32 s5, $0x0;
	s5 =	sld [smem:$0x3FAE]  }
0x2b: {  	s6 =	sld [smem:$0x3FAF]  }
0x2c: {  	s7 =	sld [smem:$0x3FB0]  }
0x2d: {  	s3 =	simm.s32 $0x108;
	s8 =	sld [smem:$0x3FB1]  }
0x2e: {  	s3 =	simm.s32 @!p0 $0x1082;
	s9 =	sld [smem:$0x3FB2]  }
0x2f: {  	lr =	sadd.s32 s0, s3;
	s0 =	sld [smem:$0x3FA9]  }
0x30: {  	s3 =	sld [smem:$0x3FAC]  }
0x31: {  	[smem:$0x3FB5] =	sst s10  }
0x32: {  	s10 =	sld [smem:$0x3FB3];
	_ =	sdelay $0x3  }
0x33: {  	p0 =	seq.s32 s10, $0x1;
	s10 =	sld [smem:$0x3FB5];
	_ =	sdelay $0x3  }
0x34: {  	[smem:$0x3FB5] =	sst s10  }
0x35: {  	s10 =	sld [smem:$0x3FB4];
	_ =	sdelay $0x3  }
0x36: {  	p1 =	seq.s32 s10, $0x1;
	s10 =	sld [smem:$0x3FB5];
	_ =	sdelay $0x3  }
0x37: {  	[smem:$0x3FB5] =	sst s10  }
0x38: {  	s10 =	sld [smem:$0x3FB6]  }
0x39: {  	_ = 	snop;
	(pc) =	sbr.ind lr, $3  }
0x3a: {  	_ = 	snop  }
0x3b: {  	_ = 	snop  }
0x3c: {  	p2 =	seq.s32 s10, $0x1;
	s10 =	sld [smem:$0x3FB5]  }
0x3d: {  	_ =	shalt  }
0x3e: {  	_ =	shalt  }
0x3f: {  	_ =	shalt  }
0x40: {  	_ =	shalt  }
0x41: {  	_ =	shalt  }
0x42: {  	_ =	shalt  }
0x43: {  	_ =	shalt  }
0x44: {  	_ =	shalt  }
0x45: {  	_ =	shalt  }
0x46: {  	_ =	shalt  }
0x47: {  	_ =	shalt  }
0x48: {  	_ =	shalt  }
0x49: {  	_ =	shalt  }
0x4a: {  	_ =	shalt  }
0x4b: {  	_ =	shalt  }
0x4c: {  	_ =	shalt  }
0x4d: {  	_ =	shalt  }
0x4e: {  	_ =	shalt  }
0x4f: {  	_ =	shalt  }
0x50: {  	_ =	shalt  }
0x51: {  	_ =	shalt  }
0x52: {  	_ =	shalt  }
0x53: {  	_ =	shalt  }
0x54: {  	_ =	shalt  }
0x55: {  	_ =	shalt  }
0x56: {  	_ =	shalt  }
0x57: {  	_ =	shalt  }
0x58: {  	_ =	shalt  }
0x59: {  	_ =	shalt  }
0x5a: {  	_ =	shalt  }
0x5b: {  	_ =	shalt  }
0x5c: {  	_ =	shalt  }
0x5d: {  	_ =	shalt  }
0x5e: {  	_ =	shalt  }
0x5f: {  	_ =	shalt  }
0x60: {  	_ =	shalt  }
0x61: {  	_ =	shalt  }
0x62: {  	_ =	shalt  }
0x63: {  	_ =	shalt  }
0x64: {  	_ =	shalt  }
0x65: {  	_ =	shalt  }
0x66: {  	_ =	shalt  }
0x67: {  	_ =	shalt  }
0x68: {  	_ =	shalt  }
0x69: {  	_ =	shalt  }
0x6a: {  	_ =	shalt  }
0x6b: {  	_ =	shalt  }
0x6c: {  	_ =	shalt  }
0x6d: {  	_ =	shalt  }
0x6e: {  	_ =	shalt  }
0x6f: {  	_ =	shalt  }
0x70: {  	_ =	shalt  }
0x71: {  	_ =	shalt  }
0x72: {  	_ =	shalt  }
0x73: {  	_ =	shalt  }
0x74: {  	_ =	shalt  }
0x75: {  	_ =	shalt  }
0x76: {  	_ =	shalt  }
0x77: {  	_ =	shalt  }
0x78: {  	_ =	shalt  }
0x79: {  	_ =	shalt  }
0x7a: {  	_ =	shalt  }
0x7b: {  	_ =	shalt  }
0x7c: {  	_ =	shalt  }
0x7d: {  	_ =	shalt  }
0x7e: {  	_ =	shalt  }
0x7f: {  	_ =	shalt  }
0x80: {  	_ =	shalt  }
0x81: {  	_ =	shalt  }
0x82: {  	_ =	shalt  }
0x83: {  	_ =	shalt  }
0x84: {  	_ =	shalt  }
0x85: {  	_ =	shalt  }
0x86: {  	_ =	shalt  }
0x87: {  	_ =	shalt  }
.Lfunc_end0:
.L_simem_size_0:
called_computation.2_lowered:
.L_overlay_start_0:
0x88: {  	s2 =	sld [smem:$0x3FD9]  }
0x89: {  	s3 =	sld [smem:$0x3FFE];
	_ =	sdelay $0x1  }
0x8a: {  	s1 =	srdreg.scid  }
0x8b: {  	s0 =	sand.u32 $0x1, s1  }
0x8c: {  	s16 =	sshll.u32 s0, $0xA;
	s2 =	sadd.s32 s3, s2  }
0x8d: {  	s2 =	sadd.s32 s2, s16  }
0x8e: {  	[smem:$0x3FC1] =	sst s2  }
0x8f: {  	_ = 	snop  }
0x90: {  	(tm) =	ssettm $0x1  }
0x91: {  	s17 =	sld [smem:$0x3FFB];
	_ =	sdelay $0x3  }
0x92: {  	_ =	strace s17  }
0x93: {  	s2 =	sld [smem:$0x3FFC];
	_ =	sdelay $0x3  }
0x94: {  	_ =	strace s2  }
0x95: {  	s2 =	sld [smem:$0x3FFD];
	_ =	sdelay $0x3  }
0x96: {  	_ =	strace s2  }
0x97: {  	_ =	strace $0x8FFFFFFF  }
0x98: {  	s18 =	sld [smem:$0x3FDB];
	_ =	sdelay $0x1  }
0x99: {  	s19 =	simm.s32 $_scs_section_size  }
0x9a: {  	s4 =	simm.s32 $_size__tile_overlayer_lowered;
	s5 =	simm.s32 $_tile_overlayer_lowered  }
0x9b: {  	s22 =	simm.s32 $0x1BFF;
	s21 =	sshll.u32 s5, $0x1;
	s2 =	sadd.s32 s19, s18  }
0x9c: {  	s6 =	simm.s32 $0x0;
	s20 =	sshll.u32 s4, $0x1;
	s4 =	sadd.s32 s21, s2  }
0x9d: {  	[timem:s6], [sflag:s22] =	dma.local [hbm:s4], s20  }
0x9e: {  	_ =	swait.ge [sflag:s22], s20  }
0x9f: {  	s3 =	ssub.s32 $0x0, s20;
	[sflag:s22] =	ssyncset.done $0x0  }
0xa0: {  	[sflag:s22] =	ssyncadd.s32 s3;
	_ =	sdelay $0x1  }
0xa1: {  	s23 =	simm.s32 $0x1B8B  }
0xa2: {  	_ =	swait.ge [sflag:s23], $0x1  }
0xa3: {  	[sflag:s23] =	ssyncset.done $0x0  }
0xa4: {  	s25 =	simm.s32 $0x1B8E;
	s24 =	sld [smem:$0x3FFE];
	[sflag:s23] =	ssyncadd.s32 $0xFFFFFFFF  }
0xa5: {  	s26 =	simm.s32 $execute0_lowered;
	[smem:$0x3FD2] =	sst s25  }
0xa6: {  	s4 =	sshll.u32 s26, $0x1;
	_ =	strace $0x8000004C;
	[dreg:$0x1] =	wrdreg $0xFFFFFFFF  }
0xa7: {  	s28 =	simm.s32 $_size_execute0_lowered;
	s2 =	sadd.s32 s2, s4;
	[dreg:$0x0] =	wrdreg $0x0  }
0xa8: {  	s4 =	sshll.u32 s28, $0x1;
	[dreg:$0x2] =	wrdreg s2  }
0xa9: {  	[dreg:$0x3] =	wrdreg s4  }
0xaa: {  	[dreg:$0x4] =	wrdreg $0xC0  }
0xab: {  	_ =	task [dreg:s6], $0x5FFFF  }
0xac: {  	[dreg:$0x1] =	wrdreg $0xFFFFFFFF  }
0xad: {  	[dreg:$0x0] =	wrdreg $0x60  }
0xae: {  	[dreg:$0x2] =	wrdreg s24  }
0xaf: {  	[dreg:$0x3] =	wrdreg $0x19000  }
0xb0: {  	[dreg:$0x4] =	wrdreg $0x9  }
0xb1: {  	_ =	task.clear_ibuf [dreg:s6], $0x5FFFF;
	_ =	strace $0x9000004C  }
0xb2: {  	s29 =	simm.s32 $0x9;
	_ =	strace $0x8000004E  }
0xb3: {  	_ =	swait.ge [sflag:s29], $0x1  }
0xb4: {  	[sflag:s29] =	ssyncadd.s32 $0xFFFFFFFF  }
0xb5: {  	_ =	strace $0x9000004E  }
0xb6: {  	_ =	sfence  }
0xb7: {  	s30 =	sld [smem:$0x0];
	_ =	sdelay $0x2  }
0xb8: {  	s31 =	sshll.u32 s1, $0xD;
	s1 =	sshrl.u32 s1, $0x2  }
0xb9: {  	s3 =	sand.u32 $0x4000, s31;
	s1 =	sadd.s32 s1, s30  }
0xba: {  	s0 =	sor.u32 s3, s0;
	s1 =	sshll.u32 s1, $0x11  }
0xbb: {  	s0 =	sor.u32 s1, s0  }
0xbc: {  	s0 =	sadd.s32 $0x8F2B, s0  }
0xbd: {  	[sflag:s0] =	ssyncadd.remote.s32 $0x1  }
0xbe: {  	_ =	sfence.sel $0xFFFF  }
0xbf: {  	[dreg:$0x0] =	wrdreg $0xFFFFFFFF;
	(pc) =	sbr.abs _section_cstart, $3  }
0xc0: {  	[dreg:$0x1] =	wrdreg $0xFFFFFFFF  }
0xc1: {  	_ =	task.clear_ibuf [dreg:s6], $0x2FFFF;
	_ =	strace $0x9FFFFFFF  }
0xc2: {  	(tm) =	ssettm $0x7FFFFFFF  }
0xc3: {  	_ =	shalt  }
tec
execute0_lowered:
.L_overlay_start_1:
0x0: {  	(tag) =	ssettag $0x1  }
0x1: {  	s0 =	rddreg [dreg:$0x0]  }
0x2: {  	s2 =	rddreg [dreg:$0x1];
	s3 =	simm.s32 $0x0  }
0x3: {  	s10 =	stileid.u32;
	s5 =	srdreg.scid;
	s28 =	simm.s32 $0x1  }
0x4: {  	s29 =	simm.s32 $0x0;
	[smem:$0x7FF] =	sst s3;
	s1 =	smul.u32 $0xA00, s10  }
0x5: {  	s4 =	sadd.s32 $0x16200, s0;
	s5 =	sand.u32 $0x1, s5;
	s6 =	smul.u32 $0x280, s10  }
0x6: {  	s8 =	sadd.s32 $0x25200, s0;
	s14 =	smul.u32 $0x7800, s10;
	s20 =	sshll.u32 s10, $0x6  }
0x7: {  	_ =	strace $0x8000004D;
	s7 =	ssub.s32 $0x2, s5;
	s15 =	smul.u32 $0x2800, s5  }
0x8: {  	s5 =	smul.u32 $0x500, s5;
	s1 =	sadd.s32 s1, s0;
	s0 =	sadd.s32 $0x34200, s0  }
0x9: {  	s9 =	sshrl.u32 s7, $0x1;
	s13 =	sadd.s32 $0x80, s6;
	s18 =	sshrl.u32 s14, $0x3  }
0xa: {  	s11 =	sadd.s32 s14, s2;
	s23 =	sadd.s32 $0x3000, s14;
	s16 =	sadd.s32 $0x4800, s14  }
0xb: {  	s26 =	sadd.s32 $0x6000, s14;
	s21 =	ssub.s32 s7, s9;
	s19 =	smul.u32 $0x30, s13  }
0xc: {  	[dreg:$0x3] =	wrdreg s11;
	s7 =	sadd.s32 s8, s18;
	s24 =	sadd.s32 s23, s2  }
0xd: {  	s11 =	sshrl.u32 s23, $0x3;
	s12 =	sadd.s32 s16, s2;
	s6 =	sadd.s32 s6, s15  }
0xe: {  	s16 =	sshrl.u32 s16, $0x3;
	s15 =	sadd.s32 s15, s13;
	s14 =	sadd.s32 s26, s2  }
0xf: {  	s30 =	sshrl.u32 s26, $0x3;
	s31 =	sadd.s32 s5, s1;
	[dreg:$0x4] =	wrdreg s7  }
0x10: {  	s26 =	simm.s32 $0x100;
	s7 =	sor.u32 $0x1C02, s20;
	[dreg:$0x7] =	wrdreg s24  }
0x11: {  	s25 =	sadd.s32 s8, s11;
	s6 =	smul.u32 $0x6, s6;
	s13 =	sadd.s32 s8, s16  }
0x12: {  	s17 =	smul.u32 $0x6, s15;
	s15 =	sadd.s32 s8, s30;
	s21 =	smax.u32 s21, $0x1  }
0x13: {  	s23 =	sadd.s32 $0x2200, s31;
	s24 =	simm.s32 $0x2;
	s22 =	sadd.s32 s19, s2  }
0x14: {  	s9 =	sshrl.u32 s19, $0x3;
	[dreg:$0x8] =	wrdreg s25;
	s25 =	simm.s32 $0x80  }
0x15: {  	[dreg:$0x5] =	wrdreg s22;
	s9 =	sadd.s32 s8, s9;
	s16 =	sadd.s32 s0, s6  }
0x16: {  	s17 =	sadd.s32 s0, s17;
	s22 =	sadd.s32 $0xC200, s31;
	[dreg:$0x6] =	wrdreg s9  }
0x17: {  	s18 =	sadd.s32 $0x600, s16;
	s19 =	sadd.s32 $0x900, s16;
	s20 =	sadd.s32 $0xC00, s16  }
.LBB2_1:
0x18: {  	s0 =	rddreg [dreg:$0x3]  }
0x19: {  	s6 =	rddreg [dreg:$0x4];
	s30 =	sshrl.u32 s0, $0x3  }
0x1a: {  	[spmem:s30], [sflag:s7] =	dma.local [hbm:s6], $0x300  }
0x1b: {  	_ =	swait.ge [sflag:s24], $0x300  }
0x1c: {  	[sflag:s24] =	ssyncset.done $0x0;
	s8 =	rddreg [dreg:$0x5]  }
0x1d: {  	s9 =	rddreg [dreg:$0x6];
	[sflag:s24] =	ssyncadd.s32 $0xFFFFFD00;
	s31 =	sshrl.u32 s8, $0x3  }
0x1e: {  	[spmem:s31], [sflag:s7] =	dma.local [hbm:s9], $0x300  }
0x1f: {  	_ =	swait.ge [sflag:s24], $0x300  }
0x20: {  	[sflag:s24] =	ssyncset.done $0x0;
	s10 =	rddreg [dreg:$0x7]  }
0x21: {  	s1 =	rddreg [dreg:$0x8];
	[sflag:s24] =	ssyncadd.s32 $0xFFFFFD00;
	s0 =	sshrl.u32 s10, $0x3  }
0x22: {  	[spmem:s0], [sflag:s7] =	dma.local [hbm:s1], $0x300  }
0x23: {  	_ =	swait.ge [sflag:s24], $0x300  }
0x24: {  	[sflag:s24] =	ssyncset.done $0x0  }
0x25: {  	s1 =	sshrl.u32 s12, $0x3;
	[sflag:s24] =	ssyncadd.s32 $0xFFFFFD00  }
0x26: {  	[spmem:s1], [sflag:s7] =	dma.local [hbm:s13], $0x300  }
0x27: {  	_ =	swait.ge [sflag:s24], $0x300  }
0x28: {  	[sflag:s24] =	ssyncset.done $0x0  }
0x29: {  	s5 =	sshrl.u32 s14, $0x3;
	[sflag:s24] =	ssyncadd.s32 $0xFFFFFD00  }
0x2a: {  	[spmem:s5], [sflag:s7] =	dma.local [hbm:s15], $0x300  }
0x2b: {  	_ =	swait.ge [sflag:s24], $0x300  }
0x2c: {  	[sflag:s24] =	ssyncset.done $0x0  }
0x2d: {  	[sflag:s24] =	ssyncadd.s32 $0xFFFFFD00  }
0x2e: {  	s6 =	sadd.s32 $0x0, s23;
	[bflag:$0x0] =	sbarrier.arrive $0xFFFF  }
0x2f: {  	[tilespmem:s3], [sflag:$0x2] =	stream.linear.gather [hbm4b:s6+s3], $0x80, $0x38;
	[tilespmem:$0x9100] =	vst v63  }
0x30: {  	_ =	swait.ge [sflag:s24], $0x80  }
0x31: {  	[sflag:s24] =	ssyncset.done $0x0  }
0x32: {  	s11 =	sadd.s32 $0x0, s22;
	[sflag:s24] =	ssyncadd.s32 $0xFFFFFF80  }
0x33: {  	[tilespmem:s25], [sflag:$0x2] =	stream.linear.gather [hbm4b:s11+s3], $0x80, $0x38;
	[tilespmem:$0x9100] =	vst v63  }
0x34: {  	_ =	swait.ge [sflag:s24], $0x80  }
0x35: {  	[sflag:s24] =	ssyncset.done $0x0  }
0x36: {  	[sflag:s24] =	ssyncadd.s32 $0xFFFFFF80  }
0x37: {  	[tilespmem:s26], [sflag:$0x1] =	stream.indirect.gather [hbm4b:s4+s25], $0x30, s3, s25, $0xb8;
	[tilespmem:$0x9100] =	vst v63  }
0x38: {  	_ =	swait.ge [sflag:s28], $0x1800  }
0x39: {  	[sflag:s28] =	ssyncset.done $0x0  }
0x3a: {  	[sflag:s28] =	ssyncadd.s32 $0xFFFFE800  }
0x3b: {  	[spmem:s2] =	stream.indirect.scatter.add.f32 [tilespmem:s26], [sflag:$0x2], $0x30, s25, s25, $0xb8;
	[tilespmem:$0x9100] =	vst v63  }
0x3c: {  	_ =	swait.ge [sflag:s24], $0x1800  }
0x3d: {  	s8 =	simm.s32 $0x20;
	s6 =	simm.s32 $0x10;
	[sflag:s24] =	ssyncset.done $0x0  }
.LBB2_2:
0x3e: {  	s9 =	sadd.s32 s6, s23  }
0x3f: {  	[sflag:s24] =	ssyncadd.s32 $0xFFFFE800;
	s10 =	smov.u32 s8;
	s11 =	sadd.s32 $0x10, s8  }
0x40: {  	[tilespmem:s3], [sflag:$0x2] =	stream.linear.gather [hbm4b:s9+s3], $0x80, $0x38;
	[tilespmem:$0x9100] =	vst v63  }
0x41: {  	p0 =	sne.s32 s8, $0x4F0;
	_ =	swait.ge [sflag:s24], $0x80  }
0x42: {  	[sflag:s24] =	ssyncset.done $0x0  }
0x43: {  	s8 =	sadd.s32 s6, s22;
	s6 =	smov.u32 s10;
	[sflag:s24] =	ssyncadd.s32 $0xFFFFFF80  }
0x44: {  	[tilespmem:s25], [sflag:$0x2] =	stream.linear.gather [hbm4b:s8+s3], $0x80, $0x38;
	[tilespmem:$0x9100] =	vst v63  }
0x45: {  	_ =	swait.ge [sflag:s24], $0x80  }
0x46: {  	[sflag:s24] =	ssyncset.done $0x0  }
0x47: {  	[sflag:s24] =	ssyncadd.s32 $0xFFFFFF80  }
0x48: {  	[tilespmem:s26], [sflag:$0x1] =	stream.indirect.gather [hbm4b:s4+s25], $0x30, s3, s25, $0xb8;
	[tilespmem:$0x9100] =	vst v63  }
0x49: {  	_ =	swait.ge [sflag:s28], $0x1800  }
.Ltmp0:
0x4a: {  	[sflag:s28] =	ssyncset.done $0x0;
	(pc) =	sbr.rel @p0 .LBB2_2-.Ltmp0, $4  }
0x4b: {  	[sflag:s28] =	ssyncadd.s32 $0xFFFFE800  }
0x4c: {  	[spmem:s2] =	stream.indirect.scatter.add.f32 [tilespmem:s26], [sflag:$0x2], $0x30, s25, s25, $0xb8;
	[tilespmem:$0x9100] =	vst v63  }
0x4d: {  	_ =	swait.ge [sflag:s24], $0x1800  }
0x4e: {  	s8 =	smov.u32 s11;
	[sflag:s24] =	ssyncset.done $0x0  }
0x4f: {  	s8 =	sadd.s32 s6, s23;
	[sflag:s24] =	ssyncadd.s32 $0xFFFFE800  }
0x50: {  	[tilespmem:s3], [sflag:$0x2] =	stream.linear.gather [hbm4b:s8+s3], $0x80, $0x38;
	[tilespmem:$0x9100] =	vst v63  }
0x51: {  	_ =	swait.ge [sflag:s24], $0x80  }
0x52: {  	[sflag:s24] =	ssyncset.done $0x0  }
0x53: {  	s11 =	sadd.s32 s6, s22;
	[sflag:s24] =	ssyncadd.s32 $0xFFFFFF80  }
0x54: {  	[tilespmem:s25], [sflag:$0x2] =	stream.linear.gather [hbm4b:s11+s3], $0x80, $0x38;
	[tilespmem:$0x9100] =	vst v63  }
0x55: {  	_ =	swait.ge [sflag:s24], $0x80  }
0x56: {  	[sflag:s24] =	ssyncset.done $0x0  }
0x57: {  	[sflag:s24] =	ssyncadd.s32 $0xFFFFFF80  }
0x58: {  	[tilespmem:s26], [sflag:$0x1] =	stream.indirect.gather [hbm4b:s4+s25], $0x30, s3, s25, $0xb8;
	[tilespmem:$0x9100] =	vst v63  }
0x59: {  	_ =	swait.ge [sflag:s28], $0x1800  }
0x5a: {  	[sflag:s28] =	ssyncset.done $0x0  }
0x5b: {  	[sflag:s28] =	ssyncadd.s32 $0xFFFFE800  }
0x5c: {  	[spmem:s2] =	stream.indirect.scatter.add.f32 [tilespmem:s26], [sflag:$0x2], $0x30, s25, s25, $0xb8;
	[tilespmem:$0x9100] =	vst v63  }
0x5d: {  	_ =	swait.ge [sflag:s24], $0x1800  }
0x5e: {  	[sflag:s24] =	ssyncset.done $0x0  }
0x5f: {  	[sflag:s24] =	ssyncadd.s32 $0xFFFFE800  }
0x60: {  	[bflag:$0x0] =	sbarrier.arrive $0xFFFF  }
0x61: {  	[hbm:s16], [sflag:s7] =	dma.local [spmem:s30], $0x300  }
0x62: {  	_ =	swait.ge [sflag:s24], $0x300  }
0x63: {  	[sflag:s24] =	ssyncset.done $0x0  }
0x64: {  	[sflag:s24] =	ssyncadd.s32 $0xFFFFFD00  }
0x65: {  	[hbm:s17], [sflag:s7] =	dma.local [spmem:s31], $0x300  }
0x66: {  	_ =	swait.ge [sflag:s24], $0x300  }
0x67: {  	[sflag:s24] =	ssyncset.done $0x0  }
0x68: {  	[sflag:s24] =	ssyncadd.s32 $0xFFFFFD00  }
0x69: {  	[hbm:s18], [sflag:s7] =	dma.local [spmem:s0], $0x300  }
0x6a: {  	_ =	swait.ge [sflag:s24], $0x300  }
0x6b: {  	[sflag:s24] =	ssyncset.done $0x0  }
0x6c: {  	[sflag:s24] =	ssyncadd.s32 $0xFFFFFD00  }
0x6d: {  	[hbm:s19], [sflag:s7] =	dma.local [spmem:s1], $0x300  }
0x6e: {  	s29 =	sadd.s32 $0x1, s29;
	_ =	swait.ge [sflag:s24], $0x300  }
0x6f: {  	p0 =	sne.s32 s29, s21;
	[sflag:s24] =	ssyncset.done $0x0  }
.Ltmp1:
0x70: {  	[sflag:s24] =	ssyncadd.s32 $0xFFFFFD00;
	(pc) =	sbr.rel @p0 .LBB2_1-.Ltmp1, $4  }
0x71: {  	[hbm:s20], [sflag:s7] =	dma.local [spmem:s5], $0x300  }
0x72: {  	_ =	swait.ge [sflag:s24], $0x300  }
0x73: {  	[sflag:s24] =	ssyncset.done $0x0  }
0x74: {  	[sflag:s24] =	ssyncadd.s32 $0xFFFFFD00  }
0x75: {  	_ =	sfence.sel $0x180000  }
0x76: {  	[bflag:$0x0] =	sbarrier.arrive $0xFFFF  }
0x77: {  	_ =	strace $0x9000004D  }
0x78: {  	s0 =	stileid.u32;
	[bflag:$0x2] =	sbarrier.arrive $0xFFFF  }
0x79: {  	p0 =	sne.s32 s0, $0x0;
	s0 =	rddreg [dreg:$0x2]  }
0x7a: {  	s0 =	sadd.s32 @!p0 $0x100000, s0  }
0x7b: {  	[sflag:s0] =	ssyncadd.tile.s32 @!p0 $0x1;
	_ =	shalt  }
.Lfunc_end2:
_tile_overlayer_lowered:
.L_overlay_start_2:
0x7c: {  	(tag) =	ssettag $0x2  }
0x7d: {  	s0 =	rddreg [dreg:$0x0];
	s2 =	stileid.u32  }
0x7e: {  	s1 =	rddreg [dreg:$0x1];
	p0 =	sne.s32 s2, $0x0  }
0x7f: {  	s3 =	rddreg [dreg:$0x2];
	[bflag:$0x3] =	sbarrier.arrive $0xFFFF;
	s2 =	simm.s32 @!p0 $0x1C02  }
0x80: {  	[timem:s3], [sflag:s2] =	dma.local @!p0 [hbm:s0], s1  }
0x81: {  	s0 =	simm.s32 @!p0 $0x2  }
0x82: {  	_ =	swait.ge @!p0 [sflag:s0], s1  }
0x83: {  	s1 =	ssub.s32 @!p0 $0x0, s1;
	[sflag:s0] =	ssyncset.done @!p0 $0x0  }
0x84: {  	[sflag:s0] =	ssyncadd.s32 @!p0 s1  }
0x85: {  	[bflag:$0x3] =	sbarrier.arrive $0xFFFF  }
0x86: {  	_ =	shalt  }

// kernel: kernel.8.cloned.1.call-start
scs
__scs_entry_jumppad:
0x0: {  	(pc) =	sbr.rel $0x88, $3  }
0x1: {  	(tag) =	ssettag $0x0;
	lr =	simm.s32 $0x1  }
0x2: {  	[smem:$0x3F9A] =	sst lr;
	_ =	strace $0xD0000000  }
0x3: {  	_ = 	snop  }
0x4: {  	_ = 	snop  }
0x5: {  	_ = 	snop  }
0x6: {  	_ = 	snop  }
0x7: {  	_ = 	snop  }
__scs_overlays_trampoline_lowered:
0x8: {  	[smem:$0x3FA9] =	sst s0  }
0x9: {  	[smem:$0x3FAA] =	sst s1  }
0xa: {  	[smem:$0x3FAB] =	sst s2  }
0xb: {  	[smem:$0x3FAC] =	sst s3  }
0xc: {  	[smem:$0x3FAD] =	sst s4  }
0xd: {  	[smem:$0x3FAE] =	sst s5  }
0xe: {  	[smem:$0x3FAF] =	sst s6  }
0xf: {  	[smem:$0x3FB0] =	sst s7  }
0x10: {  	[smem:$0x3FB1] =	sst s8  }
0x11: {  	[smem:$0x3FB2] =	sst s9;
	s0 =	simm.s32 @!p0 $0x0  }
0x12: {  	s1 =	sld [smem:$0x3F98];
	s0 =	simm.s32 @p0 $0x1  }
0x13: {  	[smem:$0x3FB3] =	sst s0;
	s0 =	simm.s32 @!p1 $0x0  }
0x14: {  	s2 =	sld [smem:$0x3F97];
	s0 =	simm.s32 @p1 $0x1  }
0x15: {  	[smem:$0x3FB4] =	sst s0;
	s0 =	simm.s32 @!p2 $0x0  }
0x16: {  	s3 =	sld [smem:$0x3FDB];
	s0 =	simm.s32 @p2 $0x1  }
0x17: {  	s4 =	simm.s32 $0x1BF5;
	[smem:$0x3FB6] =	sst s0  }
0x18: {  	s0 =	sld [smem:$0x3F99];
	_ =	swait.ge [sflag:s4], $0x0  }
0x19: {  	s7 =	sld [smem:$0x3F9A]  }
0x1a: {  	s8 =	sadd.s32 $0xFFFFE003, lr  }
0x1b: {  	s9 =	sadd.s32 $0xFFFFFEF7, lr;
	s5 =	simm.s32 $0xFFFFFFFF;
	p2 =	slt.u32 s8, $0xFFFFF086  }
0x1c: {  	p1 =	slt.u32 s9, $0xF7A;
	s5 =	simm.s32 @!p2 $0x0  }
0x1d: {  	s5 =	simm.s32 @p1 $0x1;
	p0 =	seq.s32 s7, s2  }
0x1e: {  	s7 =	smul.u32 @!p0 $0xF7A, s2;
	p2 =	seq.s32 @!p0 s5, $0x0  }
0x1f: {  	s9 =	smul.u32 $0xF7A, s1;
	s8 =	simm.s32 @!p0 $0x1BF5;
	p2 =	por !p2, p0  }
0x20: {  	[sflag:s8] =	ssyncset.s32 @!p0 $0xFFFFF086;
	s6 =	sadd.s32 @!p0 s3, s7;
	s7 =	simm.s32 @!p0 $0x108  }
0x21: {  	s3 =	sadd.s32 s3, s9;
	s6 =	sadd.s32 @!p0 $0x88, s6;
	s7 =	simm.s32 @p2 $0x1082  }
0x22: {  	[simem:s7], [sflag:s8] =	dma.local @!p0 [hbm:s6], $0xF7A  }
0x23: {  	s9 =	sor.u32 $0xD0000000, s2;
	s6 =	simm.s32 $0x108;
	_ =	swait.ge @!p0 [sflag:s8], $0x0  }
0x24: {  	s3 =	sadd.s32 $0x88, s3;
	s6 =	simm.s32 @!p1 $0x1082;
	[sflag:s4] =	ssyncset.s32 $0xFFFFF086  }
0x25: {  	[simem:s6], [sflag:s4] =	dma.local [hbm:s3], $0xF7A  }
0x26: {  	[smem:$0x3F9A] =	sst s1;
	(tag) =	ssettag s2;
	_ =	strace s9  }
0x27: {  	s1 =	sld [smem:$0x3FAA]  }
0x28: {  	s2 =	sld [smem:$0x3FAB]  }
0x29: {  	s4 =	sld [smem:$0x3FAD]  }
0x2a: {  	p0 =	seq.s32 s5, $0x0;
	s5 =	sld [smem:$0x3FAE]  }
0x2b: {  	s6 =	sld [smem:$0x3FAF]  }
0x2c: {  	s7 =	sld [smem:$0x3FB0]  }
0x2d: {  	s3 =	simm.s32 $0x108;
	s8 =	sld [smem:$0x3FB1]  }
0x2e: {  	s3 =	simm.s32 @!p0 $0x1082;
	s9 =	sld [smem:$0x3FB2]  }
0x2f: {  	lr =	sadd.s32 s0, s3;
	s0 =	sld [smem:$0x3FA9]  }
0x30: {  	s3 =	sld [smem:$0x3FAC]  }
0x31: {  	[smem:$0x3FB5] =	sst s10  }
0x32: {  	s10 =	sld [smem:$0x3FB3];
	_ =	sdelay $0x3  }
0x33: {  	p0 =	seq.s32 s10, $0x1;
	s10 =	sld [smem:$0x3FB5];
	_ =	sdelay $0x3  }
0x34: {  	[smem:$0x3FB5] =	sst s10  }
0x35: {  	s10 =	sld [smem:$0x3FB4];
	_ =	sdelay $0x3  }
0x36: {  	p1 =	seq.s32 s10, $0x1;
	s10 =	sld [smem:$0x3FB5];
	_ =	sdelay $0x3  }
0x37: {  	[smem:$0x3FB5] =	sst s10  }
0x38: {  	s10 =	sld [smem:$0x3FB6]  }
0x39: {  	_ = 	snop;
	(pc) =	sbr.ind lr, $3  }
0x3a: {  	_ = 	snop  }
0x3b: {  	_ = 	snop  }
0x3c: {  	p2 =	seq.s32 s10, $0x1;
	s10 =	sld [smem:$0x3FB5]  }
0x3d: {  	_ =	shalt  }
0x3e: {  	_ =	shalt  }
0x3f: {  	_ =	shalt  }
0x40: {  	_ =	shalt  }
0x41: {  	_ =	shalt  }
0x42: {  	_ =	shalt  }
0x43: {  	_ =	shalt  }
0x44: {  	_ =	shalt  }
0x45: {  	_ =	shalt  }
0x46: {  	_ =	shalt  }
0x47: {  	_ =	shalt  }
0x48: {  	_ =	shalt  }
0x49: {  	_ =	shalt  }
0x4a: {  	_ =	shalt  }
0x4b: {  	_ =	shalt  }
0x4c: {  	_ =	shalt  }
0x4d: {  	_ =	shalt  }
0x4e: {  	_ =	shalt  }
0x4f: {  	_ =	shalt  }
0x50: {  	_ =	shalt  }
0x51: {  	_ =	shalt  }
0x52: {  	_ =	shalt  }
0x53: {  	_ =	shalt  }
0x54: {  	_ =	shalt  }
0x55: {  	_ =	shalt  }
0x56: {  	_ =	shalt  }
0x57: {  	_ =	shalt  }
0x58: {  	_ =	shalt  }
0x59: {  	_ =	shalt  }
0x5a: {  	_ =	shalt  }
0x5b: {  	_ =	shalt  }
0x5c: {  	_ =	shalt  }
0x5d: {  	_ =	shalt  }
0x5e: {  	_ =	shalt  }
0x5f: {  	_ =	shalt  }
0x60: {  	_ =	shalt  }
0x61: {  	_ =	shalt  }
0x62: {  	_ =	shalt  }
0x63: {  	_ =	shalt  }
0x64: {  	_ =	shalt  }
0x65: {  	_ =	shalt  }
0x66: {  	_ =	shalt  }
0x67: {  	_ =	shalt  }
0x68: {  	_ =	shalt  }
0x69: {  	_ =	shalt  }
0x6a: {  	_ =	shalt  }
0x6b: {  	_ =	shalt  }
0x6c: {  	_ =	shalt  }
0x6d: {  	_ =	shalt  }
0x6e: {  	_ =	shalt  }
0x6f: {  	_ =	shalt  }
0x70: {  	_ =	shalt  }
0x71: {  	_ =	shalt  }
0x72: {  	_ =	shalt  }
0x73: {  	_ =	shalt  }
0x74: {  	_ =	shalt  }
0x75: {  	_ =	shalt  }
0x76: {  	_ =	shalt  }
0x77: {  	_ =	shalt  }
0x78: {  	_ =	shalt  }
0x79: {  	_ =	shalt  }
0x7a: {  	_ =	shalt  }
0x7b: {  	_ =	shalt  }
0x7c: {  	_ =	shalt  }
0x7d: {  	_ =	shalt  }
0x7e: {  	_ =	shalt  }
0x7f: {  	_ =	shalt  }
0x80: {  	_ =	shalt  }
0x81: {  	_ =	shalt  }
0x82: {  	_ =	shalt  }
0x83: {  	_ =	shalt  }
0x84: {  	_ =	shalt  }
0x85: {  	_ =	shalt  }
0x86: {  	_ =	shalt  }
0x87: {  	_ =	shalt  }
.Lfunc_end0:
.L_simem_size_0:
called_computation_lowered:
.L_overlay_start_0:
0x88: {  	s2 =	sld [smem:$0x3FD9]  }
0x89: {  	s3 =	sld [smem:$0x3FFE];
	_ =	sdelay $0x1  }
0x8a: {  	s1 =	srdreg.scid  }
0x8b: {  	s0 =	sand.u32 $0x1, s1  }
0x8c: {  	s16 =	sshll.u32 s0, $0xA;
	s2 =	sadd.s32 s3, s2  }
0x8d: {  	s2 =	sadd.s32 s2, s16  }
0x8e: {  	[smem:$0x3FC1] =	sst s2  }
0x8f: {  	_ = 	snop  }
0x90: {  	(tm) =	ssettm $0x1  }
0x91: {  	s17 =	sld [smem:$0x3FFB];
	_ =	sdelay $0x3  }
0x92: {  	_ =	strace s17  }
0x93: {  	s2 =	sld [smem:$0x3FFC];
	_ =	sdelay $0x3  }
0x94: {  	_ =	strace s2  }
0x95: {  	s2 =	sld [smem:$0x3FFD];
	_ =	sdelay $0x3  }
0x96: {  	_ =	strace s2  }
0x97: {  	_ =	strace $0x8FFFFFFF  }
0x98: {  	s18 =	sld [smem:$0x3FDB];
	_ =	sdelay $0x1  }
0x99: {  	s19 =	simm.s32 $_scs_section_size  }
0x9a: {  	s4 =	simm.s32 $_size__tile_overlayer_lowered;
	s5 =	simm.s32 $_tile_overlayer_lowered  }
0x9b: {  	s22 =	simm.s32 $0x1BFF;
	s21 =	sshll.u32 s5, $0x1;
	s2 =	sadd.s32 s19, s18  }
0x9c: {  	s6 =	simm.s32 $0x0;
	s20 =	sshll.u32 s4, $0x1;
	s4 =	sadd.s32 s21, s2  }
0x9d: {  	[timem:s6], [sflag:s22] =	dma.local [hbm:s4], s20  }
0x9e: {  	_ =	swait.ge [sflag:s22], s20  }
0x9f: {  	s3 =	ssub.s32 $0x0, s20;
	[sflag:s22] =	ssyncset.done $0x0  }
0xa0: {  	[sflag:s22] =	ssyncadd.s32 s3;
	_ =	sdelay $0x1  }
0xa1: {  	s23 =	simm.s32 $0x1B8B  }
0xa2: {  	_ =	swait.ge [sflag:s23], $0x1  }
0xa3: {  	[sflag:s23] =	ssyncset.done $0x0  }
0xa4: {  	s25 =	simm.s32 $0x1B8E;
	s24 =	sld [smem:$0x3FFE];
	[sflag:s23] =	ssyncadd.s32 $0xFFFFFFFF  }
0xa5: {  	s26 =	simm.s32 $execute0_lowered;
	[smem:$0x3FD2] =	sst s25  }
0xa6: {  	s4 =	sshll.u32 s26, $0x1;
	_ =	strace $0x80000046;
	[dreg:$0x1] =	wrdreg $0xFFFFFFFF  }
0xa7: {  	s28 =	simm.s32 $_size_execute0_lowered;
	s2 =	sadd.s32 s2, s4;
	[dreg:$0x0] =	wrdreg $0x0  }
0xa8: {  	s4 =	sshll.u32 s28, $0x1;
	[dreg:$0x2] =	wrdreg s2  }
0xa9: {  	[dreg:$0x3] =	wrdreg s4  }
0xaa: {  	[dreg:$0x4] =	wrdreg $0xC0  }
0xab: {  	_ =	task [dreg:s6], $0x5FFFF  }
0xac: {  	[dreg:$0x1] =	wrdreg $0xFFFFFFFF  }
0xad: {  	[dreg:$0x0] =	wrdreg $0x60  }
0xae: {  	[dreg:$0x2] =	wrdreg s24  }
0xaf: {  	[dreg:$0x3] =	wrdreg $0x3800  }
0xb0: {  	[dreg:$0x4] =	wrdreg $0x9  }
0xb1: {  	_ =	task.clear_ibuf [dreg:s6], $0x5FFFF;
	_ =	strace $0x90000046  }
0xb2: {  	s29 =	simm.s32 $0x9;
	_ =	strace $0x80000048  }
0xb3: {  	_ =	swait.ge [sflag:s29], $0x1  }
0xb4: {  	[sflag:s29] =	ssyncadd.s32 $0xFFFFFFFF  }
0xb5: {  	_ =	strace $0x90000048  }
0xb6: {  	_ =	sfence  }
0xb7: {  	s30 =	sld [smem:$0x0];
	_ =	sdelay $0x2  }
0xb8: {  	s31 =	sshll.u32 s1, $0xD;
	s1 =	sshrl.u32 s1, $0x2  }
0xb9: {  	s3 =	sand.u32 $0x4000, s31;
	s1 =	sadd.s32 s1, s30  }
0xba: {  	s0 =	sor.u32 s3, s0;
	s1 =	sshll.u32 s1, $0x11  }
0xbb: {  	s0 =	sor.u32 s1, s0  }
0xbc: {  	s0 =	sadd.s32 $0x8F2B, s0  }
0xbd: {  	[sflag:s0] =	ssyncadd.remote.s32 $0x1  }
0xbe: {  	_ =	sfence.sel $0xFFFF  }
0xbf: {  	[dreg:$0x0] =	wrdreg $0xFFFFFFFF;
	(pc) =	sbr.abs _section_cstart, $3  }
0xc0: {  	[dreg:$0x1] =	wrdreg $0xFFFFFFFF  }
0xc1: {  	_ =	task.clear_ibuf [dreg:s6], $0x2FFFF;
	_ =	strace $0x9FFFFFFF  }
0xc2: {  	(tm) =	ssettm $0x7FFFFFFF  }
0xc3: {  	_ =	shalt  }
tec
execute0_lowered:
.L_overlay_start_1:
0x0: {  	(tag) =	ssettag $0x1  }
0x1: {  	s4 =	rddreg [dreg:$0x0]  }
0x2: {  	s2 =	rddreg [dreg:$0x1]  }
0x3: {  	s0 =	rddreg [dreg:$0x2];
	s1 =	stileid.u32  }
0x4: {  	s6 =	srdreg.scid;
	s5 =	smul.u32 $0xA00, s1  }
0x5: {  	s3 =	simm.s32 $0x0;
	s7 =	smul.u32 $0x280, s1;
	s6 =	sand.u32 $0x1, s6  }
0x6: {  	[smem:$0x7FF] =	sst s3;
	s8 =	smul.u32 $0x2800, s6  }
0x7: {  	_ =	strace $0x80000047;
	s10 =	ssub.s32 $0x2, s6;
	s12 =	smul.u32 $0x500, s6  }
0x8: {  	s9 =	sadd.s32 s5, s4;
	s29 =	sshrl.u32 s7, $0x3;
	s11 =	sshrl.u32 s10, $0x1  }
0x9: {  	s5 =	sadd.s32 s29, s4;
	s8 =	sadd.s32 s7, s8;
	s31 =	ssub.s32 s10, s11  }
0xa: {  	s9 =	sadd.s32 s12, s9;
	s10 =	simm.s32 $0x1;
	s8 =	sshrl.u32 s8, $0x3  }
0xb: {  	s11 =	simm.s32 $0x80;
	s12 =	simm.s32 $0x0;
	s30 =	sadd.s32 s8, s4  }
0xc: {  	s4 =	sadd.s32 $0x16200, s5;
	s5 =	sadd.s32 s7, s2;
	s7 =	smax.u32 s31, $0x1  }
0xd: {  	v0 =	vimm.f32 $1.000000000e+00;
	s8 =	sadd.s32 $0xC200, s9;
	s9 =	simm.s32 $0x100;
	s6 =	sadd.s32 $0x16800, s30  }
.LBB2_1:
0xe: {  	[tilespmem:s9], [sflag:$0x1] =	stream.linear.gather [hbm4b:s4+s3], $0x280, $0x38;
	[tilespmem:$0x600] =	vst v63  }
0xf: {  	_ =	swait.ge [sflag:s10], $0x280  }
0x10: {  	[sflag:s10] =	ssyncset.done $0x0  }
0x11: {  	[sflag:s10] =	ssyncadd.s32 $0xFFFFFD80  }
0x12: {  	[spmem:s5] =	stream.linear.scatter [tilespmem:s9], [sflag:$0x1], $0x280, $0x38;
	[tilespmem:$0x600] =	vst v63  }
0x13: {  	_ =	swait.ge [sflag:s10], $0x280  }
0x14: {  	[sflag:s10] =	ssyncset.done $0x0  }
0x15: {  	[sflag:s10] =	ssyncadd.s32 $0xFFFFFD80  }
0x16: {  	[tilespmem:$0x80] =	vst v0  }
0x17: {  	[tilespmem:$0x90] =	vst v0  }
0x18: {  	[tilespmem:$0xA0] =	vst v0  }
0x19: {  	[tilespmem:$0xB0] =	vst v0  }
0x1a: {  	[tilespmem:$0xC0] =	vst v0  }
0x1b: {  	[tilespmem:$0xD0] =	vst v0  }
0x1c: {  	[tilespmem:$0xE0] =	vst v0  }
0x1d: {  	[tilespmem:$0xF0] =	vst v0  }
0x1e: {  	s13 =	sadd.s32 $0x0, s8;
	[bflag:$0x0] =	sbarrier.arrive $0xFFFF  }
0x1f: {  	[tilespmem:s3], [sflag:$0x1] =	stream.linear.gather [hbm4b:s13+s3], $0x80, $0x38;
	[tilespmem:$0x600] =	vst v63  }
0x20: {  	_ =	swait.ge [sflag:s10], $0x80  }
0x21: {  	[sflag:s10] =	ssyncset.done $0x0  }
0x22: {  	[sflag:s10] =	ssyncadd.s32 $0xFFFFFF80  }
0x23: {  	[spmem:s2] =	stream.indirect.scatter.add.f32 [tilespmem:s11], [sflag:$0x1], $0x1, s3, s11, $0xb8;
	[tilespmem:$0x600] =	vst v63  }
0x24: {  	_ =	swait.ge [sflag:s10], $0x80  }
0x25: {  	s14 =	simm.s32 $0x20;
	s13 =	simm.s32 $0x10;
	[sflag:s10] =	ssyncset.done $0x0  }
.LBB2_2:
0x26: {  	s15 =	sadd.s32 s13, s8  }
0x27: {  	[sflag:s10] =	ssyncadd.s32 $0xFFFFFF80;
	s13 =	smov.u32 s14;
	s16 =	sadd.s32 $0x10, s14  }
0x28: {  	[tilespmem:s3], [sflag:$0x1] =	stream.linear.gather [hbm4b:s15+s3], $0x80, $0x38;
	[tilespmem:$0x600] =	vst v63  }
0x29: {  	p0 =	sne.s32 s14, $0x4F0;
	_ =	swait.ge [sflag:s10], $0x80  }
.Ltmp0:
0x2a: {  	[sflag:s10] =	ssyncset.done $0x0;
	(pc) =	sbr.rel @p0 .LBB2_2-.Ltmp0, $4  }
0x2b: {  	[sflag:s10] =	ssyncadd.s32 $0xFFFFFF80  }
0x2c: {  	[spmem:s2] =	stream.indirect.scatter.add.f32 [tilespmem:s11], [sflag:$0x1], $0x1, s3, s11, $0xb8;
	[tilespmem:$0x600] =	vst v63  }
0x2d: {  	_ =	swait.ge [sflag:s10], $0x80  }
0x2e: {  	s14 =	smov.u32 s16;
	[sflag:s10] =	ssyncset.done $0x0  }
0x2f: {  	s13 =	sadd.s32 s13, s8;
	[sflag:s10] =	ssyncadd.s32 $0xFFFFFF80  }
0x30: {  	[tilespmem:s3], [sflag:$0x1] =	stream.linear.gather [hbm4b:s13+s3], $0x80, $0x38;
	[tilespmem:$0x600] =	vst v63  }
0x31: {  	_ =	swait.ge [sflag:s10], $0x80  }
0x32: {  	[sflag:s10] =	ssyncset.done $0x0  }
0x33: {  	[sflag:s10] =	ssyncadd.s32 $0xFFFFFF80  }
0x34: {  	[spmem:s2] =	stream.indirect.scatter.add.f32 [tilespmem:s11], [sflag:$0x1], $0x1, s3, s11, $0xb8;
	[tilespmem:$0x600] =	vst v63  }
0x35: {  	_ =	swait.ge [sflag:s10], $0x80  }
0x36: {  	[sflag:s10] =	ssyncset.done $0x0  }
0x37: {  	[sflag:s10] =	ssyncadd.s32 $0xFFFFFF80  }
0x38: {  	[bflag:$0x0] =	sbarrier.arrive $0xFFFF  }
0x39: {  	[tilespmem:s9], [sflag:$0x1] =	stream.linear.gather [spmem:s5], $0x280, $0x38;
	[tilespmem:$0x600] =	vst v63  }
0x3a: {  	s12 =	sadd.s32 $0x1, s12;
	_ =	swait.ge [sflag:s10], $0x280  }
0x3b: {  	p0 =	sne.s32 s12, s7;
	[sflag:s10] =	ssyncset.done $0x0  }
.Ltmp1:
0x3c: {  	[sflag:s10] =	ssyncadd.s32 $0xFFFFFD80;
	(pc) =	sbr.rel @p0 .LBB2_1-.Ltmp1, $4  }
0x3d: {  	[hbm4b:s6+s3] =	stream.linear.scatter [tilespmem:s9], [sflag:$0x1], $0x280, $0x38;
	[tilespmem:$0x600] =	vst v63  }
0x3e: {  	_ =	swait.ge [sflag:s10], $0x280  }
0x3f: {  	[sflag:s10] =	ssyncset.done $0x0  }
0x40: {  	[sflag:s10] =	ssyncadd.s32 $0xFFFFFD80  }
0x41: {  	_ =	sfence.sel $0x180000  }
0x42: {  	[bflag:$0x0] =	sbarrier.arrive $0xFFFF  }
0x43: {  	p0 =	sne.s32 s1, $0x0;
	_ =	strace $0x90000047  }
0x44: {  	s0 =	sadd.s32 @!p0 $0x100000, s0;
	[bflag:$0x2] =	sbarrier.arrive $0xFFFF  }
0x45: {  	[sflag:s0] =	ssyncadd.tile.s32 @!p0 $0x1;
	_ =	shalt  }
.Lfunc_end2:
_tile_overlayer_lowered:
.L_overlay_start_2:
0x46: {  	(tag) =	ssettag $0x2  }
0x47: {  	s0 =	rddreg [dreg:$0x0];
	s2 =	stileid.u32  }
0x48: {  	s1 =	rddreg [dreg:$0x1];
	p0 =	sne.s32 s2, $0x0  }
0x49: {  	s3 =	rddreg [dreg:$0x2];
	[bflag:$0x3] =	sbarrier.arrive $0xFFFF;
	s2 =	simm.s32 @!p0 $0x1C01  }
0x4a: {  	[timem:s3], [sflag:s2] =	dma.local @!p0 [hbm:s0], s1  }
0x4b: {  	s0 =	simm.s32 @!p0 $0x1  }
0x4c: {  	_ =	swait.ge @!p0 [sflag:s0], s1  }
0x4d: {  	s1 =	ssub.s32 @!p0 $0x0, s1;
	[sflag:s0] =	ssyncset.done @!p0 $0x0  }
0x4e: {  	[sflag:s0] =	ssyncadd.s32 @!p0 s1  }
0x4f: {  	[bflag:$0x3] =	sbarrier.arrive $0xFFFF  }
0x50: {  	_ =	shalt  }

</sc_bundles>
